<compile_context>
chip_gen: v7x
topology: tpu7x:2x2x1
jax: 0.10.2.dev20260603
libtpu: 0.0.44.dev20260713+nightly
codegen_flags: <defaults>
</compile_context>

<pallas_src>
import functools

import jax
import jax.numpy as jnp
from jax import lax
from jax.experimental import pallas as pl
from jax.experimental.pallas import tpu as pltpu
from jax.experimental.pallas import tpu_sc as plsc

EMB = 64
POS = 3
TOK = 2 * EMB
QN = 1024
KMEM = 100000
TOPK = 16
KBLK = 1024
NKB = 98
KPAD = NKB * KBLK
QT = 512
NQT = QN // QT
DQT = 2048
BIG = 3.0e38
PADV = 1.0e30
FIBIG = 1.0e9


def _proj_body(qin_ref, w1_ref, b1_ref, w2_ref, b2_ref, out_ref):
    mm = lambda a, b: lax.dot_general(a, b, (((1,), (0,)), ((), ())),
                                      preferred_element_type=jnp.float32)
    h = jnp.maximum(mm(qin_ref[...], w1_ref[...]) + b1_ref[...], 0.0)
    out_ref[...] = mm(h, w2_ref[...]) + b2_ref[...]


def _run_proj(qin, w1, b1, w2, b2):
    return pl.pallas_call(
        _proj_body,
        out_shape=jax.ShapeDtypeStruct((QN, TOK), jnp.float32),
    )(qin, w1, b1, w2, b2)


def _topk_body(qp_ref, qsq_ref, st_ref, ksq_ref, vals_ref, idx_ref,
               bv_ref, bi_ref, d2_ref):
    j = pl.program_id(1)
    qp = qp_ref[...]
    st = st_ref[...]
    qk = lax.dot_general(qp, st, (((1,), (1,)), ((), ())),
                         preferred_element_type=jnp.float32)
    qsq = qsq_ref[:, 0:1]
    ksq = ksq_ref[...].reshape(1, KBLK)
    d2 = (qsq - 2.0 * qk) + ksq
    jf = lax.convert_element_type(j * KBLK, jnp.float32)
    gidx = jf + lax.broadcasted_iota(jnp.int32, (QT, KBLK), 1).astype(
        jnp.float32)

    lane = lax.broadcasted_iota(jnp.int32, (QT, 128), 1).astype(jnp.float32)
    lane16 = lane < float(TOPK)

    first = j == 0
    bv_ref[...] = jnp.where(first, BIG, bv_ref[...])
    bi_ref[...] = jnp.where(first, FIBIG + lane * 65536.0, bi_ref[...])

    tau = jnp.max(jnp.where(lane16, bv_ref[...], -BIG), axis=1, keepdims=True)
    cnt = jnp.sum(jnp.where(d2 < tau, 1.0, 0.0), axis=1, keepdims=True)
    npass = jnp.minimum(jnp.max(cnt), float(TOPK)).astype(jnp.int32)
    d2_ref[...] = d2

    def body(t, carry):
        d2v = d2_ref[...]
        m = jnp.min(d2v, axis=1, keepdims=True)
        sel = jnp.min(jnp.where(d2v == m, gidx, FIBIG), axis=1, keepdims=True)
        d2_ref[...] = jnp.where(gidx == sel, BIG, d2v)
        bvv = bv_ref[...]
        biv = bi_ref[...]
        bvm = jnp.where(lane16, bvv, -BIG)
        worst = jnp.max(bvm, axis=1, keepdims=True)
        evict_i = jnp.max(jnp.where(bvm == worst, biv, -1.0), axis=1,
                          keepdims=True)
        wmask = (bvm == worst) & (biv == evict_i) & (m < worst)
        bv_ref[...] = jnp.where(wmask, m, bvv)
        bi_ref[...] = jnp.where(wmask, sel, biv)
        return carry

    lax.fori_loop(0, npass, body, 0)

    @pl.when(j == NKB - 1)
    def _():
        cv = jnp.where(lane16, bv_ref[...], BIG)
        ci = bi_ref[...]
        nv = jnp.full((QT, 128), BIG, jnp.float32)
        ni = jnp.full((QT, 128), FIBIG, jnp.float32)
        for t in range(TOPK):
            m = jnp.min(cv, axis=1, keepdims=True)
            sel = jnp.min(jnp.where(cv == m, ci, FIBIG), axis=1, keepdims=True)
            cv = jnp.where(ci == sel, BIG, cv)
            nv = jnp.where(lane == float(t), m, nv)
            ni = jnp.where(lane == float(t), sel, ni)
        vals_ref[...] = nv
        idx_ref[...] = ni.astype(jnp.int32)


def _run_topk(qproj, qsq_b, st_p, ksq_p):
    return pl.pallas_call(
        _topk_body,
        grid=(NQT, NKB),
        in_specs=[
            pl.BlockSpec((QT, TOK), lambda i, j: (i, 0)),
            pl.BlockSpec((QT, 128), lambda i, j: (i, 0)),
            pl.BlockSpec((KBLK, TOK), lambda i, j: (j, 0)),
            pl.BlockSpec((1, 1, KBLK), lambda i, j: (j, 0, 0)),
        ],
        out_specs=[
            pl.BlockSpec((QT, 128), lambda i, j: (i, 0)),
            pl.BlockSpec((QT, 128), lambda i, j: (i, 0)),
        ],
        out_shape=[
            jax.ShapeDtypeStruct((QN, 128), jnp.float32),
            jax.ShapeDtypeStruct((QN, 128), jnp.int32),
        ],
        scratch_shapes=[
            pltpu.VMEM((QT, 128), jnp.float32),
            pltpu.VMEM((QT, 128), jnp.float32),
            pltpu.VMEM((QT, KBLK), jnp.float32),
        ],
        compiler_params=pltpu.CompilerParams(
            dimension_semantics=("arbitrary", "arbitrary")),
    )(qproj, qsq_b, st_p, ksq_p)


_NW = 32
_BPW = QN * TOPK // _NW
_CHUNK = 128


def _make_gather():
    mesh = plsc.VectorSubcoreMesh(core_axis_name="c", subcore_axis_name="s")

    @functools.partial(
        pl.kernel, mesh=mesh,
        out_type=jax.ShapeDtypeStruct((QN * TOPK, TOK), jnp.float32),
        scratch_types=[
            pltpu.VMEM((_BPW,), jnp.int32),
            pltpu.VMEM((_BPW, TOK), jnp.float32),
            pltpu.SemaphoreType.DMA,
        ],
    )
    def gather_kernel(table_hbm, idx_hbm, out_hbm, idx_v, rows_v, sem):
        wid = lax.axis_index("s") * 2 + lax.axis_index("c")
        base = wid * _BPW
        pltpu.sync_copy(idx_hbm.at[pl.ds(base, _BPW)], idx_v)
        cps = []
        for c in range(_BPW // _CHUNK):
            cps.append(pltpu.async_copy(
                table_hbm.at[idx_v.at[pl.ds(c * _CHUNK, _CHUNK)]],
                rows_v.at[pl.ds(c * _CHUNK, _CHUNK)], sem))
        for cp in cps:
            cp.wait()
        pltpu.sync_copy(rows_v, out_hbm.at[pl.ds(base, _BPW)])

    return gather_kernel


def _dec_body(vs_ref, pw1, pb1, pw2, pb2, pw3, pb3, dw1, db1, dw2, db2,
              p_ref, d_ref):
    mm = lambda a, b: lax.dot_general(a, b, (((1,), (0,)), ((), ())),
                                      preferred_element_type=jnp.float32)
    vs = vs_ref[...]
    hp = jnp.maximum(mm(vs, pw1[...]) + pb1[...], 0.0)
    hp = jnp.maximum(mm(hp, pw2[...]) + pb2[...], 0.0)
    p_ref[...] = mm(hp, pw3[...]) + pb3[...]
    hd = jnp.maximum(mm(vs, dw1[...]) + db1[...], 0.0)
    d_ref[...] = mm(hd, dw2[...]) + db2[...]


def _run_dec(vs, pw1, pb1, pw2, pb2, pw3, pb3, dw1, db1, dw2, db2):
    n = QN * TOPK
    wspec = pl.BlockSpec((TOK, TOK), lambda i: (0, 0))
    bspec = pl.BlockSpec((1, TOK), lambda i: (0, 0))
    return pl.pallas_call(
        _dec_body,
        grid=(n // DQT,),
        in_specs=[pl.BlockSpec((DQT, TOK), lambda i: (i, 0)),
                  wspec, bspec, wspec, bspec, wspec, bspec,
                  wspec, bspec, wspec, bspec],
        out_specs=[pl.BlockSpec((DQT, TOK), lambda i: (i, 0)),
                   pl.BlockSpec((DQT, TOK), lambda i: (i, 0))],
        out_shape=[jax.ShapeDtypeStruct((n, TOK), jnp.float32),
                   jax.ShapeDtypeStruct((n, TOK), jnp.float32)],
    )(vs, pw1, pb1, pw2, pb2, pw3, pb3, dw1, db1, dw2, db2)


def _padw(w):
    return jnp.pad(w, ((0, TOK - w.shape[0]), (0, TOK - w.shape[1])))


def _padb(b):
    return jnp.pad(b, (0, TOK - b.shape[0]))[None, :]


def kernel(v_t, p_t, stored_tokens, qp_w1, qp_b1, qp_w2, qp_b2,
           pd_w1, pd_b1, pd_w2, pd_b2, pd_w3, pd_b3,
           dd_w1, dd_b1, dd_w2, dd_b2, k):
    qin = jnp.concatenate([v_t, p_t], axis=1)
    qin = jnp.pad(qin, ((0, 0), (0, TOK - EMB - POS)))
    w1 = jnp.pad(qp_w1, ((0, TOK - EMB - POS), (0, 0)))
    qproj = _run_proj(qin, w1, qp_b1[None, :], qp_w2, qp_b2[None, :])

    ksq = jnp.sum(stored_tokens * stored_tokens, axis=1)
    ksq_p = jnp.pad(ksq, (0, KPAD - KMEM),
                    constant_values=PADV).reshape(NKB, 1, KBLK)
    st_p = jnp.pad(stored_tokens, ((0, KPAD - KMEM), (0, 0)))

    qsq = jnp.sum(qproj * qproj, axis=1, keepdims=True)
    qsq_b = jnp.broadcast_to(qsq, (QN, 128))

    vals128, idx128 = _run_topk(qproj, qsq_b, st_p, ksq_p)
    vals = vals128[:, :TOPK]
    idx = idx128[:, :TOPK]

    retrieved = _make_gather()(stored_tokens, idx.reshape(-1))
    retrieved = retrieved.reshape(QN, TOPK, TOK)

    vs = retrieved[..., EMB:].reshape(QN * TOPK, EMB)
    vs = jnp.pad(vs, ((0, 0), (0, TOK - EMB)))
    p128, d128 = _run_dec(
        vs,
        _padw(pd_w1), _padb(pd_b1), _padw(pd_w2), _padb(pd_b2),
        _padw(pd_w3), _padb(pd_b3),
        _padw(dd_w1), _padb(dd_b1), _padw(dd_w2), _padb(dd_b2))
    p_hat = p128[:, :POS].reshape(QN, TOPK, POS)
    d_hat = d128[:, :EMB].reshape(QN, TOPK, EMB)
    return (idx, vals, retrieved, p_hat, d_hat)

# --- scband reference (transcript-rebuilt; emitter-appended) ---
"""Pipeline reference for scband-long-term-memory-17489106829524 (READ-ONLY COPY).

The authoritative reference and input builder live on the scoring server;
editing this copy changes nothing except your own understanding.
"""

import jax, jax.numpy as jnp
import numpy as np

EMB = 64
POS = 3
TOK = 2 * EMB
Q = 1024
KMEM = 100000
TOPK = 16


def _lin(key, fan_in, fan_out):
    w = jax.random.normal(key, (fan_in, fan_out), jnp.float32) * (1.0 / np.sqrt(fan_in))
    b = jnp.zeros((fan_out,), jnp.float32)
    return w, b


def setup_inputs(seed: int = 0) -> dict:
    key = jax.random.key(seed)
    ks = jax.random.split(key, 12)
    v_t = jax.random.normal(ks[0], (Q, EMB), jnp.float32)
    p_t = jax.random.normal(ks[1], (Q, POS), jnp.float32)
    # stored LTM state tokens (the HNSW-indexed memory bank, 2*d_emb each)
    stored_tokens = jax.random.normal(ks[2], (KMEM, TOK), jnp.float32)
    # query_projector MLP: (emb+pos) -> ltm_token_dim hidden -> ltm_token_dim
    qp_w1, qp_b1 = _lin(ks[3], EMB + POS, TOK)
    qp_w2, qp_b2 = _lin(ks[4], TOK, TOK)
    # position_decoder MLP: emb -> emb//2 -> pos*4 -> pos
    pd_w1, pd_b1 = _lin(ks[5], EMB, EMB // 2)
    pd_w2, pd_b2 = _lin(ks[6], EMB // 2, POS * 4)
    pd_w3, pd_b3 = _lin(ks[7], POS * 4, POS)
    # descriptor_decoder MLP: emb -> emb -> emb
    dd_w1, dd_b1 = _lin(ks[8], EMB, EMB)
    dd_w2, dd_b2 = _lin(ks[9], EMB, EMB)
    return {
        'v_t': v_t, 'p_t': p_t, 'stored_tokens': stored_tokens,
        'qp_w1': qp_w1, 'qp_b1': qp_b1, 'qp_w2': qp_w2, 'qp_b2': qp_b2,
        'pd_w1': pd_w1, 'pd_b1': pd_b1, 'pd_w2': pd_w2, 'pd_b2': pd_b2,
        'pd_w3': pd_w3, 'pd_b3': pd_b3,
        'dd_w1': dd_w1, 'dd_b1': dd_b1, 'dd_w2': dd_w2, 'dd_b2': dd_b2,
        'k': TOPK,
    }


def reference(v_t, p_t, stored_tokens, qp_w1, qp_b1, qp_w2, qp_b2,
              pd_w1, pd_b1, pd_w2, pd_b2, pd_w3, pd_b3,
              dd_w1, dd_b1, dd_w2, dd_b2, k):
    # 1) project (observation embedding, absolute position) into LTM token space
    q_in = jnp.concatenate([v_t, p_t], axis=-1)
    h = jax.nn.relu(q_in @ qp_w1 + qp_b1)
    q_proj = h @ qp_w2 + qp_b2
    # 2) exact L2 kNN over the stored memory bank (brute-force equivalent of HNSW l2)
    q_sq = jnp.sum(q_proj * q_proj, axis=1, keepdims=True)
    k_sq = jnp.sum(stored_tokens * stored_tokens, axis=1)[None, :]
    d2 = q_sq - 2.0 * (q_proj @ stored_tokens.T) + k_sq
    neg_vals, idx = jax.lax.top_k(-d2, TOPK)
    idx = idx + jnp.asarray(k - k, dtype=idx.dtype)
    # 3) gather retrieved 2*d_emb state tokens
    retrieved = jnp.take(stored_tokens, idx, axis=0)
    # 4) decode: second half is the reconstructed stored observation v_s
    v_s = retrieved[..., EMB:]
    hp = jax.nn.relu(v_s @ pd_w1 + pd_b1)
    hp = jax.nn.relu(hp @ pd_w2 + pd_b2)
    p_hat = hp @ pd_w3 + pd_b3
    hd = jax.nn.relu(v_s @ dd_w1 + dd_b1)
    d_hat = hd @ dd_w2 + dd_b2
    return (idx, -neg_vals, retrieved, p_hat, d_hat)

if __name__ == "__main__":
    import jax
    _d = setup_inputs()
    print(jax.jit(kernel)(*tuple(_d.values())))

</pallas_src>

<mosaic_0001>
#map = affine_map<(d0, d1) -> (0, 0)>
#map1 = affine_map<(d0, d1) -> (0)>
module attributes {stable_mosaic.version = 14 : i64} {
  func.func @gather_kernel(%arg0: i32, %arg1: i32, %arg2: memref<100000x128xf32, #tpu.memory_space<hbm>>, %arg3: memref<16384xi32, #tpu.memory_space<hbm>>, %arg4: memref<16384x128xf32, #tpu.memory_space<hbm>>, %arg5: memref<512xi32, #tpu.memory_space<vmem>>, %arg6: memref<512x128xf32, #tpu.memory_space<vmem>>, %arg7: memref<!tpu.dma_semaphore, #tpu.memory_space<semaphore_mem>>) attributes {dimension_semantics = [#tpu.dimension_semantics<core_parallel>, #tpu.dimension_semantics<subcore_parallel>], iteration_bounds = array<i64: 2, 16>, scalar_prefetch = 0 : i64, scratch_operands = 3 : i64, tpu.core_type = #tpu.core_type<sc_vector_subcore>, window_params = [{transform_indices = #map}, {transform_indices = #map1}, {transform_indices = #map}]} {
    %mul3A = arith.constant 2 : i32
    %mul3A_0 = arith.muli %arg1, %mul3A : i32
    %add3A = arith.addi %mul3A_0, %arg0 : i32
    %mul3A_1 = arith.constant 512 : i32
    %mul3A_2 = arith.muli %add3A, %mul3A_1 : i32
    "tpu.region"() ({
      %run_scoped3A = tpu.sem_alloc : memref<!tpu.dma_semaphore, #tpu.memory_space<semaphore_mem>>
      %dma_start3A_65 = tpu.memref_slice %arg3[%mul3A_2] : memref<16384xi32, #tpu.memory_space<hbm>> -> memref<512xi32, #tpu.memory_space<hbm>>
      %dma_start3A_66 = tpu.memref_slice %arg3[%mul3A_2] : memref<16384xi32, #tpu.memory_space<hbm>> -> memref<512xi32, #tpu.memory_space<hbm>>
      tpu.enqueue_dma source(%dma_start3A_66 : memref<512xi32, #tpu.memory_space<hbm>>) target(%arg5 : memref<512xi32, #tpu.memory_space<vmem>>) target_semaphore(%run_scoped3A : memref<!tpu.dma_semaphore, #tpu.memory_space<semaphore_mem>>)
      %dma_wait3A_67 = tpu.memref_slice %arg3[%mul3A_2] : memref<16384xi32, #tpu.memory_space<hbm>> -> memref<512xi32, #tpu.memory_space<hbm>>
      %dma_wait3A_68 = tpu.memref_slice %arg3[%mul3A_2] : memref<16384xi32, #tpu.memory_space<hbm>> -> memref<512xi32, #tpu.memory_space<hbm>>
      tpu.wait_dma2 semaphore(%run_scoped3A : memref<!tpu.dma_semaphore, #tpu.memory_space<semaphore_mem>>) src(%dma_wait3A_68 : memref<512xi32, #tpu.memory_space<hbm>>) dst(%arg5 : memref<512xi32, #tpu.memory_space<vmem>>)
      tpu.yield
    }) : () -> ()
    %dma_start3A = arith.constant 0 : i32
    %dma_start3A_3 = arith.constant 0 : i32
    %dma_start3A_4 = tpu.memref_slice %arg6[%dma_start3A, %dma_start3A_3] : memref<512x128xf32, #tpu.memory_space<vmem>> -> memref<128x128xf32, #tpu.memory_space<vmem>>
    %dma_start3A_5 = arith.constant 0 : i32
    %dma_start3A_6 = tpu.memref_slice %arg5[%dma_start3A_5] : memref<512xi32, #tpu.memory_space<vmem>> -> memref<128xi32, #tpu.memory_space<vmem>>
    %dma_start3A_7 = arith.constant 0 : i32
    %dma_start3A_8 = arith.constant 0 : i32
    %dma_start3A_9 = tpu.memref_slice %arg2[%dma_start3A_7, %dma_start3A_8] : memref<100000x128xf32, #tpu.memory_space<hbm>> -> memref<100000x128xf32, #tpu.memory_space<hbm>>
    tpu.enqueue_indirect_dma source(%dma_start3A_9 : memref<100000x128xf32, #tpu.memory_space<hbm>>) target(%dma_start3A_4 : memref<128x128xf32, #tpu.memory_space<vmem>>) offsets(%dma_start3A_6 : memref<128xi32, #tpu.memory_space<vmem>>) semaphore(%arg7 : memref<!tpu.dma_semaphore, #tpu.memory_space<semaphore_mem>>)
    %dma_start3A_10 = arith.constant 128 : i32
    %dma_start3A_11 = arith.constant 0 : i32
    %dma_start3A_12 = tpu.memref_slice %arg6[%dma_start3A_10, %dma_start3A_11] : memref<512x128xf32, #tpu.memory_space<vmem>> -> memref<128x128xf32, #tpu.memory_space<vmem>>
    %dma_start3A_13 = arith.constant 128 : i32
    %dma_start3A_14 = tpu.memref_slice %arg5[%dma_start3A_13] : memref<512xi32, #tpu.memory_space<vmem>> -> memref<128xi32, #tpu.memory_space<vmem>>
    %dma_start3A_15 = arith.constant 0 : i32
    %dma_start3A_16 = arith.constant 0 : i32
    %dma_start3A_17 = tpu.memref_slice %arg2[%dma_start3A_15, %dma_start3A_16] : memref<100000x128xf32, #tpu.memory_space<hbm>> -> memref<100000x128xf32, #tpu.memory_space<hbm>>
    tpu.enqueue_indirect_dma source(%dma_start3A_17 : memref<100000x128xf32, #tpu.memory_space<hbm>>) target(%dma_start3A_12 : memref<128x128xf32, #tpu.memory_space<vmem>>) offsets(%dma_start3A_14 : memref<128xi32, #tpu.memory_space<vmem>>) semaphore(%arg7 : memref<!tpu.dma_semaphore, #tpu.memory_space<semaphore_mem>>)
    %dma_start3A_18 = arith.constant 256 : i32
    %dma_start3A_19 = arith.constant 0 : i32
    %dma_start3A_20 = tpu.memref_slice %arg6[%dma_start3A_18, %dma_start3A_19] : memref<512x128xf32, #tpu.memory_space<vmem>> -> memref<128x128xf32, #tpu.memory_space<vmem>>
    %dma_start3A_21 = arith.constant 256 : i32
    %dma_start3A_22 = tpu.memref_slice %arg5[%dma_start3A_21] : memref<512xi32, #tpu.memory_space<vmem>> -> memref<128xi32, #tpu.memory_space<vmem>>
    %dma_start3A_23 = arith.constant 0 : i32
    %dma_start3A_24 = arith.constant 0 : i32
    %dma_start3A_25 = tpu.memref_slice %arg2[%dma_start3A_23, %dma_start3A_24] : memref<100000x128xf32, #tpu.memory_space<hbm>> -> memref<100000x128xf32, #tpu.memory_space<hbm>>
    tpu.enqueue_indirect_dma source(%dma_start3A_25 : memref<100000x128xf32, #tpu.memory_space<hbm>>) target(%dma_start3A_20 : memref<128x128xf32, #tpu.memory_space<vmem>>) offsets(%dma_start3A_22 : memref<128xi32, #tpu.memory_space<vmem>>) semaphore(%arg7 : memref<!tpu.dma_semaphore, #tpu.memory_space<semaphore_mem>>)
    %dma_start3A_26 = arith.constant 384 : i32
    %dma_start3A_27 = arith.constant 0 : i32
    %dma_start3A_28 = tpu.memref_slice %arg6[%dma_start3A_26, %dma_start3A_27] : memref<512x128xf32, #tpu.memory_space<vmem>> -> memref<128x128xf32, #tpu.memory_space<vmem>>
    %dma_start3A_29 = arith.constant 384 : i32
    %dma_start3A_30 = tpu.memref_slice %arg5[%dma_start3A_29] : memref<512xi32, #tpu.memory_space<vmem>> -> memref<128xi32, #tpu.memory_space<vmem>>
    %dma_start3A_31 = arith.constant 0 : i32
    %dma_start3A_32 = arith.constant 0 : i32
    %dma_start3A_33 = tpu.memref_slice %arg2[%dma_start3A_31, %dma_start3A_32] : memref<100000x128xf32, #tpu.memory_space<hbm>> -> memref<100000x128xf32, #tpu.memory_space<hbm>>
    tpu.enqueue_indirect_dma source(%dma_start3A_33 : memref<100000x128xf32, #tpu.memory_space<hbm>>) target(%dma_start3A_28 : memref<128x128xf32, #tpu.memory_space<vmem>>) offsets(%dma_start3A_30 : memref<128xi32, #tpu.memory_space<vmem>>) semaphore(%arg7 : memref<!tpu.dma_semaphore, #tpu.memory_space<semaphore_mem>>)
    %dma_wait3A = arith.constant 0 : i32
    %dma_wait3A_34 = arith.constant 0 : i32
    %dma_wait3A_35 = tpu.memref_slice %arg6[%dma_wait3A, %dma_wait3A_34] : memref<512x128xf32, #tpu.memory_space<vmem>> -> memref<128x128xf32, #tpu.memory_space<vmem>>
    %dma_wait3A_36 = arith.constant 0 : i32
    %dma_wait3A_37 = tpu.memref_slice %arg5[%dma_wait3A_36] : memref<512xi32, #tpu.memory_space<vmem>> -> memref<128xi32, #tpu.memory_space<vmem>>
    %dma_wait3A_38 = arith.constant 0 : i32
    %dma_wait3A_39 = arith.constant 0 : i32
    %dma_wait3A_40 = tpu.memref_slice %arg2[%dma_wait3A_38, %dma_wait3A_39] : memref<100000x128xf32, #tpu.memory_space<hbm>> -> memref<100000x128xf32, #tpu.memory_space<hbm>>
    tpu.wait_indirect_dma semaphore(%arg7 : memref<!tpu.dma_semaphore, #tpu.memory_space<semaphore_mem>>) src(%dma_wait3A_40 : memref<100000x128xf32, #tpu.memory_space<hbm>>) dst(%dma_wait3A_35 : memref<128x128xf32, #tpu.memory_space<vmem>>)
    %dma_wait3A_41 = arith.constant 128 : i32
    %dma_wait3A_42 = arith.constant 0 : i32
    %dma_wait3A_43 = tpu.memref_slice %arg6[%dma_wait3A_41, %dma_wait3A_42] : memref<512x128xf32, #tpu.memory_space<vmem>> -> memref<128x128xf32, #tpu.memory_space<vmem>>
    %dma_wait3A_44 = arith.constant 128 : i32
    %dma_wait3A_45 = tpu.memref_slice %arg5[%dma_wait3A_44] : memref<512xi32, #tpu.memory_space<vmem>> -> memref<128xi32, #tpu.memory_space<vmem>>
    %dma_wait3A_46 = arith.constant 0 : i32
    %dma_wait3A_47 = arith.constant 0 : i32
    %dma_wait3A_48 = tpu.memref_slice %arg2[%dma_wait3A_46, %dma_wait3A_47] : memref<100000x128xf32, #tpu.memory_space<hbm>> -> memref<100000x128xf32, #tpu.memory_space<hbm>>
    tpu.wait_indirect_dma semaphore(%arg7 : memref<!tpu.dma_semaphore, #tpu.memory_space<semaphore_mem>>) src(%dma_wait3A_48 : memref<100000x128xf32, #tpu.memory_space<hbm>>) dst(%dma_wait3A_43 : memref<128x128xf32, #tpu.memory_space<vmem>>)
    %dma_wait3A_49 = arith.constant 256 : i32
    %dma_wait3A_50 = arith.constant 0 : i32
    %dma_wait3A_51 = tpu.memref_slice %arg6[%dma_wait3A_49, %dma_wait3A_50] : memref<512x128xf32, #tpu.memory_space<vmem>> -> memref<128x128xf32, #tpu.memory_space<vmem>>
    %dma_wait3A_52 = arith.constant 256 : i32
    %dma_wait3A_53 = tpu.memref_slice %arg5[%dma_wait3A_52] : memref<512xi32, #tpu.memory_space<vmem>> -> memref<128xi32, #tpu.memory_space<vmem>>
    %dma_wait3A_54 = arith.constant 0 : i32
    %dma_wait3A_55 = arith.constant 0 : i32
    %dma_wait3A_56 = tpu.memref_slice %arg2[%dma_wait3A_54, %dma_wait3A_55] : memref<100000x128xf32, #tpu.memory_space<hbm>> -> memref<100000x128xf32, #tpu.memory_space<hbm>>
    tpu.wait_indirect_dma semaphore(%arg7 : memref<!tpu.dma_semaphore, #tpu.memory_space<semaphore_mem>>) src(%dma_wait3A_56 : memref<100000x128xf32, #tpu.memory_space<hbm>>) dst(%dma_wait3A_51 : memref<128x128xf32, #tpu.memory_space<vmem>>)
    %dma_wait3A_57 = arith.constant 384 : i32
    %dma_wait3A_58 = arith.constant 0 : i32
    %dma_wait3A_59 = tpu.memref_slice %arg6[%dma_wait3A_57, %dma_wait3A_58] : memref<512x128xf32, #tpu.memory_space<vmem>> -> memref<128x128xf32, #tpu.memory_space<vmem>>
    %dma_wait3A_60 = arith.constant 384 : i32
    %dma_wait3A_61 = tpu.memref_slice %arg5[%dma_wait3A_60] : memref<512xi32, #tpu.memory_space<vmem>> -> memref<128xi32, #tpu.memory_space<vmem>>
    %dma_wait3A_62 = arith.constant 0 : i32
    %dma_wait3A_63 = arith.constant 0 : i32
    %dma_wait3A_64 = tpu.memref_slice %arg2[%dma_wait3A_62, %dma_wait3A_63] : memref<100000x128xf32, #tpu.memory_space<hbm>> -> memref<100000x128xf32, #tpu.memory_space<hbm>>
    tpu.wait_indirect_dma semaphore(%arg7 : memref<!tpu.dma_semaphore, #tpu.memory_space<semaphore_mem>>) src(%dma_wait3A_64 : memref<100000x128xf32, #tpu.memory_space<hbm>>) dst(%dma_wait3A_59 : memref<128x128xf32, #tpu.memory_space<vmem>>)
    "tpu.region"() ({
      %run_scoped3A = tpu.sem_alloc : memref<!tpu.dma_semaphore, #tpu.memory_space<semaphore_mem>>
      %dma_start3A_65 = arith.constant 0 : i32
      %dma_start3A_66 = tpu.memref_slice %arg4[%mul3A_2, %dma_start3A_65] : memref<16384x128xf32, #tpu.memory_space<hbm>> -> memref<512x128xf32, #tpu.memory_space<hbm>>
      %dma_start3A_67 = arith.constant 0 : i32
      %dma_start3A_68 = tpu.memref_slice %arg4[%mul3A_2, %dma_start3A_67] : memref<16384x128xf32, #tpu.memory_space<hbm>> -> memref<512x128xf32, #tpu.memory_space<hbm>>
      tpu.enqueue_dma source(%arg6 : memref<512x128xf32, #tpu.memory_space<vmem>>) target(%dma_start3A_68 : memref<512x128xf32, #tpu.memory_space<hbm>>) target_semaphore(%run_scoped3A : memref<!tpu.dma_semaphore, #tpu.memory_space<semaphore_mem>>)
      %dma_wait3A_69 = arith.constant 0 : i32
      %dma_wait3A_70 = tpu.memref_slice %arg4[%mul3A_2, %dma_wait3A_69] : memref<16384x128xf32, #tpu.memory_space<hbm>> -> memref<512x128xf32, #tpu.memory_space<hbm>>
      %dma_wait3A_71 = arith.constant 0 : i32
      %dma_wait3A_72 = tpu.memref_slice %arg4[%mul3A_2, %dma_wait3A_71] : memref<16384x128xf32, #tpu.memory_space<hbm>> -> memref<512x128xf32, #tpu.memory_space<hbm>>
      tpu.wait_dma2 semaphore(%run_scoped3A : memref<!tpu.dma_semaphore, #tpu.memory_space<semaphore_mem>>) src(%arg6 : memref<512x128xf32, #tpu.memory_space<vmem>>) dst(%dma_wait3A_72 : memref<512x128xf32, #tpu.memory_space<hbm>>)
      tpu.yield
    }) : () -> ()
    return
  }
}

module attributes {stable_mosaic.version = 14 : i64} {
  func.func @_proj_body(%arg0: memref<1024x128xf32, #tpu.memory_space<vmem>>, %arg1: memref<128x128xf32, #tpu.memory_space<vmem>>, %arg2: memref<1x128xf32, #tpu.memory_space<vmem>>, %arg3: memref<128x128xf32, #tpu.memory_space<vmem>>, %arg4: memref<1x128xf32, #tpu.memory_space<vmem>>, %arg5: memref<1024x128xf32, #tpu.memory_space<vmem>>) attributes {dimension_semantics = [], scalar_prefetch = 0 : i64, scratch_operands = 0 : i64, tpu.core_type = #tpu.core_type<tc>} {
    %get3A = arith.constant 0 : index
    %get3A_0 = arith.constant 0 : index
    %get3A_1 = vector.load %arg0[%get3A, %get3A_0] : memref<1024x128xf32, #tpu.memory_space<vmem>>, vector<1024x128xf32>
    %get3A_2 = arith.constant 0 : index
    %get3A_3 = arith.constant 0 : index
    %get3A_4 = vector.load %arg1[%get3A_2, %get3A_3] : memref<128x128xf32, #tpu.memory_space<vmem>>, vector<128x128xf32>
    %dot_general3A = arith.constant dense<0.000000e+00> : vector<1024x128xf32>
    %dot_general3A_5 = tpu.matmul %get3A_1, %get3A_4, %dot_general3A {dimension_numbers = #tpu.dot_dimension_numbers<[1], [0], [0], [1], [0, 0, 1, 1], [], []>, transpose_lhs_hint = false} : vector<1024x128xf32>, vector<128x128xf32>, vector<1024x128xf32> -> vector<1024x128xf32>
    %get3A_6 = arith.constant 0 : index
    %get3A_7 = arith.constant 0 : index
    %get3A_8 = vector.load %arg2[%get3A_6, %get3A_7] : memref<1x128xf32, #tpu.memory_space<vmem>>, vector<1x128xf32>
    %add3A = vector.broadcast %get3A_8 : vector<1x128xf32> to vector<1024x128xf32>
    %add3A_9 = arith.addf %dot_general3A_5, %add3A : vector<1024x128xf32>
    %max3A = arith.constant 0.000000e+00 : f32
    %max3A_10 = vector.broadcast %max3A : f32 to vector<1024x128xf32>
    %max3A_11 = arith.maximumf %add3A_9, %max3A_10 : vector<1024x128xf32>
    %get3A_12 = arith.constant 0 : index
    %get3A_13 = arith.constant 0 : index
    %get3A_14 = vector.load %arg3[%get3A_12, %get3A_13] : memref<128x128xf32, #tpu.memory_space<vmem>>, vector<128x128xf32>
    %dot_general3A_15 = arith.constant dense<0.000000e+00> : vector<1024x128xf32>
    %dot_general3A_16 = tpu.matmul %max3A_11, %get3A_14, %dot_general3A_15 {dimension_numbers = #tpu.dot_dimension_numbers<[1], [0], [0], [1], [0, 0, 1, 1], [], []>, transpose_lhs_hint = false} : vector<1024x128xf32>, vector<128x128xf32>, vector<1024x128xf32> -> vector<1024x128xf32>
    %get3A_17 = arith.constant 0 : index
    %get3A_18 = arith.constant 0 : index
    %get3A_19 = vector.load %arg4[%get3A_17, %get3A_18] : memref<1x128xf32, #tpu.memory_space<vmem>>, vector<1x128xf32>
    %add3A_20 = vector.broadcast %get3A_19 : vector<1x128xf32> to vector<1024x128xf32>
    %add3A_21 = arith.addf %dot_general3A_16, %add3A_20 : vector<1024x128xf32>
    %swap3A = arith.constant 0 : index
    %swap3A_22 = arith.constant 0 : index
    %swap3A_23 = vector.load %arg5[%swap3A, %swap3A_22] : memref<1024x128xf32, #tpu.memory_space<vmem>>, vector<1024x128xf32>
    tpu.vector_store %arg5[%swap3A, %swap3A_22], %add3A_21 {strides = array<i32>} : memref<1024x128xf32, #tpu.memory_space<vmem>>, vector<1024x128xf32>,
    return
  }
}

module attributes {stable_mosaic.version = 14 : i64} {
  func.func @_topk_body(%arg0: i32, %arg1: i32, %arg2: memref<512x128xf32, #tpu.memory_space<vmem>>, %arg3: memref<512x128xf32, #tpu.memory_space<vmem>>, %arg4: memref<1024x128xf32, #tpu.memory_space<vmem>>, %arg5: memref<1x1x1024xf32, #tpu.memory_space<vmem>>, %arg6: memref<512x128xf32, #tpu.memory_space<vmem>>, %arg7: memref<512x128xi32, #tpu.memory_space<vmem>>, %arg8: memref<512x128xf32, #tpu.memory_space<vmem>>, %arg9: memref<512x128xf32, #tpu.memory_space<vmem>>, %arg10: memref<512x1024xf32, #tpu.memory_space<vmem>>) attributes {dimension_semantics = [#tpu.dimension_semantics<arbitrary>, #tpu.dimension_semantics<arbitrary>], iteration_bounds = array<i64: 2, 98>, scalar_prefetch = 0 : i64, scratch_operands = 3 : i64, tpu.core_type = #tpu.core_type<tc>, window_params = [{transform_indices = @transform_0, window_bounds = array<i64: 512, 128>}, {transform_indices = @transform_1, window_bounds = array<i64: 512, 128>}, {transform_indices = @transform_2, window_bounds = array<i64: 1024, 128>}, {transform_indices = @transform_3, window_bounds = array<i64: 1, 1, 1024>}, {transform_indices = @transform_4, window_bounds = array<i64: 512, 128>}, {transform_indices = @transform_5, window_bounds = array<i64: 512, 128>}]} {
    %get3A = arith.constant 0 : index
    %get3A_0 = arith.constant 0 : index
    %get3A_1 = vector.load %arg2[%get3A, %get3A_0] : memref<512x128xf32, #tpu.memory_space<vmem>>, vector<512x128xf32>
    %get3A_2 = arith.constant 0 : index
    %get3A_3 = arith.constant 0 : index
    %get3A_4 = vector.load %arg4[%get3A_2, %get3A_3] : memref<1024x128xf32, #tpu.memory_space<vmem>>, vector<1024x128xf32>
    %dot_general3A = arith.constant dense<0.000000e+00> : vector<512x1024xf32>
    %dot_general3A_5 = tpu.matmul %get3A_1, %get3A_4, %dot_general3A {dimension_numbers = #tpu.dot_dimension_numbers<[1], [1], [0], [0], [0, 0, 1, 0], [], []>, transpose_lhs_hint = false} : vector<512x128xf32>, vector<1024x128xf32>, vector<512x1024xf32> -> vector<512x1024xf32>
    %get3A_6 = arith.constant 0 : index
    %get3A_7 = arith.constant 0 : index
    %get3A_8 = vector.load %arg3[%get3A_6, %get3A_7] : memref<512x128xf32, #tpu.memory_space<vmem>>, vector<512x1xf32>
    %get3A_9 = arith.constant 0 : index
    %get3A_10 = arith.constant 0 : index
    %get3A_11 = arith.constant 0 : index
    %get3A_12 = vector.load %arg5[%get3A_9, %get3A_10, %get3A_11] : memref<1x1x1024xf32, #tpu.memory_space<vmem>>, vector<1x1x1024xf32>
    %reshape3A = vector.shape_cast %get3A_12 : vector<1x1x1024xf32> to vector<1x1024xf32>
    %mul3A = arith.constant 2.000000e+00 : f32
    %mul3A_13 = vector.broadcast %mul3A : f32 to vector<512x1024xf32>
    %mul3A_14 = arith.mulf %mul3A_13, %dot_general3A_5 : vector<512x1024xf32>
    %sub3A = vector.broadcast %get3A_8 : vector<512x1xf32> to vector<512x1024xf32>
    %sub3A_15 = arith.subf %sub3A, %mul3A_14 : vector<512x1024xf32>
    %add3A = vector.broadcast %reshape3A : vector<1x1024xf32> to vector<512x1024xf32>
    %add3A_16 = arith.addf %sub3A_15, %add3A : vector<512x1024xf32>
    %mul3A_17 = arith.constant 1024 : i32
    %mul3A_18 = arith.muli %arg1, %mul3A_17 : i32
    %convert_element_type3A = arith.sitofp %mul3A_18 : i32 to f32
    %iota3A = tpu.iota {dimensions = array<i32: 1>} : vector<512x1024xi32>
    %convert_element_type3A_19 = arith.sitofp %iota3A : vector<512x1024xi32> to vector<512x1024xf32>
    %add3A_20 = vector.broadcast %convert_element_type3A : f32 to vector<512x1024xf32>
    %add3A_21 = arith.addf %add3A_20, %convert_element_type3A_19 : vector<512x1024xf32>
    %iota3A_22 = tpu.iota {dimensions = array<i32: 1>} : vector<512x128xi32>
    %convert_element_type3A_23 = arith.sitofp %iota3A_22 : vector<512x128xi32> to vector<512x128xf32>
    %lt3A = arith.constant 1.600000e+01 : f32
    %lt3A_24 = vector.broadcast %lt3A : f32 to vector<512x128xf32>
    %lt3A_25 = arith.cmpf olt, %convert_element_type3A_23, %lt3A_24 : vector<512x128xf32>
    %eq3A = arith.constant 0 : i32
    %eq3A_26 = arith.cmpi eq, %arg1, %eq3A : i32
    %get3A_27 = arith.constant 0 : index
    %get3A_28 = arith.constant 0 : index
    %get3A_29 = vector.load %arg8[%get3A_27, %get3A_28] : memref<512x128xf32, #tpu.memory_space<vmem>>, vector<512x128xf32>
    %jit3A = arith.constant 3.000000e+38 : f32
    %broadcast_in_dim3A = vector.broadcast %jit3A : f32 to vector<512x128xf32>
    %select_n3A = arith.select %eq3A_26, %broadcast_in_dim3A, %get3A_29 : vector<512x128xf32>
    %swap3A = arith.constant 0 : index
    %swap3A_30 = arith.constant 0 : index
    %swap3A_31 = vector.load %arg8[%swap3A, %swap3A_30] : memref<512x128xf32, #tpu.memory_space<vmem>>, vector<512x128xf32>
    tpu.vector_store %arg8[%swap3A, %swap3A_30], %select_n3A {strides = array<i32>} : memref<512x128xf32, #tpu.memory_space<vmem>>, vector<512x128xf32>,
    %mul3A_32 = arith.constant 6.553600e+04 : f32
    %mul3A_33 = vector.broadcast %mul3A_32 : f32 to vector<512x128xf32>
    %mul3A_34 = arith.mulf %convert_element_type3A_23, %mul3A_33 : vector<512x128xf32>
    %add3A_35 = arith.constant 1.000000e+09 : f32
    %add3A_36 = vector.broadcast %add3A_35 : f32 to vector<512x128xf32>
    %add3A_37 = arith.addf %add3A_36, %mul3A_34 : vector<512x128xf32>
    %get3A_38 = arith.constant 0 : index
    %get3A_39 = arith.constant 0 : index
    %get3A_40 = vector.load %arg9[%get3A_38, %get3A_39] : memref<512x128xf32, #tpu.memory_space<vmem>>, vector<512x128xf32>
    %select_n3A_41 = arith.select %eq3A_26, %add3A_37, %get3A_40 : vector<512x128xf32>
    %swap3A_42 = arith.constant 0 : index
    %swap3A_43 = arith.constant 0 : index
    %swap3A_44 = vector.load %arg9[%swap3A_42, %swap3A_43] : memref<512x128xf32, #tpu.memory_space<vmem>>, vector<512x128xf32>
    tpu.vector_store %arg9[%swap3A_42, %swap3A_43], %select_n3A_41 {strides = array<i32>} : memref<512x128xf32, #tpu.memory_space<vmem>>, vector<512x128xf32>,
    %get3A_45 = arith.constant 0 : index
    %get3A_46 = arith.constant 0 : index
    %get3A_47 = vector.load %arg8[%get3A_45, %get3A_46] : memref<512x128xf32, #tpu.memory_space<vmem>>, vector<512x128xf32>
    %jit3A_48 = arith.constant -3.000000e+38 : f32
    %broadcast_in_dim3A_49 = vector.broadcast %jit3A_48 : f32 to vector<512x128xf32>
    %select_n3A_50 = arith.select %lt3A_25, %get3A_47, %broadcast_in_dim3A_49 : vector<512x128xi1>, vector<512x128xf32>
    %reduce_max3A = arith.constant dense<0xFF800000> : vector<512xf32>
    %reduce_max3A_51 = vector.multi_reduction <maximumf>, %select_n3A_50, %reduce_max3A [1] : vector<512x128xf32> to vector<512xf32>
    %broadcast_in_dim3A_52 = vector.shape_cast %reduce_max3A_51 : vector<512xf32> to vector<512x1xf32>
    %lt3A_53 = vector.broadcast %broadcast_in_dim3A_52 : vector<512x1xf32> to vector<512x1024xf32>
    %lt3A_54 = arith.cmpf olt, %add3A_16, %lt3A_53 : vector<512x1024xf32>
    %jit3A_55 = arith.constant 1.000000e+00 : f32
    %jit3A_56 = arith.constant 0.000000e+00 : f32
    %broadcast_in_dim3A_57 = vector.broadcast %jit3A_55 : f32 to vector<512x1024xf32>
    %broadcast_in_dim3A_58 = vector.broadcast %jit3A_56 : f32 to vector<512x1024xf32>
    %select_n3A_59 = arith.select %lt3A_54, %broadcast_in_dim3A_57, %broadcast_in_dim3A_58 : vector<512x1024xi1>, vector<512x1024xf32>
    %reduce_sum3A = arith.constant dense<0.000000e+00> : vector<512xf32>
    %reduce_sum3A_60 = vector.multi_reduction <add>, %select_n3A_59, %reduce_sum3A [1] : vector<512x1024xf32> to vector<512xf32>
    %broadcast_in_dim3A_61 = vector.shape_cast %reduce_sum3A_60 : vector<512xf32> to vector<512x1xf32>
    %reduce_max3A_62 = vector.shape_cast %broadcast_in_dim3A_61 : vector<512x1xf32> to vector<1x512x1xf32>
    %reduce_max3A_63 = arith.constant dense<0xFF800000> : vector<1xf32>
    %reduce_max3A_64 = vector.multi_reduction <maximumf>, %reduce_max3A_62, %reduce_max3A_63 [1, 2] : vector<1x512x1xf32> to vector<1xf32>
    %reduce_max3A_65 = vector.shape_cast %reduce_max3A_64 : vector<1xf32> to vector<1x1x1xf32>
    %reduce_max3A_66 = vector.extract %reduce_max3A_65[0, 0, 0] : f32 from vector<1x1x1xf32>
    %min3A = arith.constant 1.600000e+01 : f32
    %min3A_67 = arith.minimumf %reduce_max3A_66, %min3A : f32
    %convert_element_type3A_68 = arith.fptosi %min3A_67 : f32 to i32
    %swap3A_69 = arith.constant 0 : index
    %swap3A_70 = arith.constant 0 : index
    %swap3A_71 = vector.load %arg10[%swap3A_69, %swap3A_70] : memref<512x1024xf32, #tpu.memory_space<vmem>>, vector<512x1024xf32>
    tpu.vector_store %arg10[%swap3A_69, %swap3A_70], %add3A_16 {strides = array<i32>} : memref<512x1024xf32, #tpu.memory_space<vmem>>, vector<512x1024xf32>,
    %while3A = arith.constant 0 : i32
    %while3A_72 = arith.constant 0 : i32
    %while3A_73 = arith.subi %convert_element_type3A_68, %while3A_72 : i32
    %while3A_74 = arith.addi %while3A_72, %while3A_73 : i32
    %while3A_75 = arith.constant 1 : i32
    %while3A_76 = arith.divsi %while3A_73, %while3A_75 : i32
    %while3A_77 = arith.muli %while3A_76, %while3A_75 : i32
    %while3A_78 = arith.addi %while3A_72, %while3A_77 : i32
    %while3A_79 = arith.constant 1 : i32
    scf.for %while3A_85 = %while3A_72 to %while3A_78 step %while3A_79  : i32 {
      %get3A_86 = arith.constant 0 : index
      %get3A_87 = arith.constant 0 : index
      %get3A_88 = vector.load %arg10[%get3A_86, %get3A_87] : memref<512x1024xf32, #tpu.memory_space<vmem>>, vector<512x1024xf32>
      %reduce_min3A = arith.constant dense<0x7F800000> : vector<512xf32>
      %reduce_min3A_89 = vector.multi_reduction <minimumf>, %get3A_88, %reduce_min3A [1] : vector<512x1024xf32> to vector<512xf32>
      %broadcast_in_dim3A_90 = vector.shape_cast %reduce_min3A_89 : vector<512xf32> to vector<512x1xf32>
      %eq3A_91 = vector.broadcast %broadcast_in_dim3A_90 : vector<512x1xf32> to vector<512x1024xf32>
      %eq3A_92 = arith.cmpf oeq, %get3A_88, %eq3A_91 : vector<512x1024xf32>
      %jit3A_93 = arith.constant 1.000000e+09 : f32
      %broadcast_in_dim3A_94 = vector.broadcast %jit3A_93 : f32 to vector<512x1024xf32>
      %select_n3A_95 = arith.select %eq3A_92, %add3A_21, %broadcast_in_dim3A_94 : vector<512x1024xi1>, vector<512x1024xf32>
      %reduce_min3A_96 = arith.constant dense<0x7F800000> : vector<512xf32>
      %reduce_min3A_97 = vector.multi_reduction <minimumf>, %select_n3A_95, %reduce_min3A_96 [1] : vector<512x1024xf32> to vector<512xf32>
      %broadcast_in_dim3A_98 = vector.shape_cast %reduce_min3A_97 : vector<512xf32> to vector<512x1xf32>
      %eq3A_99 = vector.broadcast %broadcast_in_dim3A_98 : vector<512x1xf32> to vector<512x1024xf32>
      %eq3A_100 = arith.cmpf oeq, %add3A_21, %eq3A_99 : vector<512x1024xf32>
      %jit3A_101 = arith.constant 3.000000e+38 : f32
      %broadcast_in_dim3A_102 = vector.broadcast %jit3A_101 : f32 to vector<512x1024xf32>
      %select_n3A_103 = arith.select %eq3A_100, %broadcast_in_dim3A_102, %get3A_88 : vector<512x1024xi1>, vector<512x1024xf32>
      %swap3A_104 = arith.constant 0 : index
      %swap3A_105 = arith.constant 0 : index
      %swap3A_106 = vector.load %arg10[%swap3A_104, %swap3A_105] : memref<512x1024xf32, #tpu.memory_space<vmem>>, vector<512x1024xf32>
      tpu.vector_store %arg10[%swap3A_104, %swap3A_105], %select_n3A_103 {strides = array<i32>} : memref<512x1024xf32, #tpu.memory_space<vmem>>, vector<512x1024xf32>,
      %get3A_107 = arith.constant 0 : index
      %get3A_108 = arith.constant 0 : index
      %get3A_109 = vector.load %arg8[%get3A_107, %get3A_108] : memref<512x128xf32, #tpu.memory_space<vmem>>, vector<512x128xf32>
      %get3A_110 = arith.constant 0 : index
      %get3A_111 = arith.constant 0 : index
      %get3A_112 = vector.load %arg9[%get3A_110, %get3A_111] : memref<512x128xf32, #tpu.memory_space<vmem>>, vector<512x128xf32>
      %jit3A_113 = arith.constant -3.000000e+38 : f32
      %broadcast_in_dim3A_114 = vector.broadcast %jit3A_113 : f32 to vector<512x128xf32>
      %select_n3A_115 = arith.select %lt3A_25, %get3A_109, %broadcast_in_dim3A_114 : vector<512x128xi1>, vector<512x128xf32>
      %reduce_max3A_116 = arith.constant dense<0xFF800000> : vector<512xf32>
      %reduce_max3A_117 = vector.multi_reduction <maximumf>, %select_n3A_115, %reduce_max3A_116 [1] : vector<512x128xf32> to vector<512xf32>
      %broadcast_in_dim3A_118 = vector.shape_cast %reduce_max3A_117 : vector<512xf32> to vector<512x1xf32>
      %eq3A_119 = vector.broadcast %broadcast_in_dim3A_118 : vector<512x1xf32> to vector<512x128xf32>
      %eq3A_120 = arith.cmpf oeq, %select_n3A_115, %eq3A_119 : vector<512x128xf32>
      %jit3A_121 = arith.constant -1.000000e+00 : f32
      %broadcast_in_dim3A_122 = vector.broadcast %jit3A_121 : f32 to vector<512x128xf32>
      %select_n3A_123 = arith.select %eq3A_120, %get3A_112, %broadcast_in_dim3A_122 : vector<512x128xi1>, vector<512x128xf32>
      %reduce_max3A_124 = arith.constant dense<0xFF800000> : vector<512xf32>
      %reduce_max3A_125 = vector.multi_reduction <maximumf>, %select_n3A_123, %reduce_max3A_124 [1] : vector<512x128xf32> to vector<512xf32>
      %broadcast_in_dim3A_126 = vector.shape_cast %reduce_max3A_125 : vector<512xf32> to vector<512x1xf32>
      %eq3A_127 = vector.broadcast %broadcast_in_dim3A_118 : vector<512x1xf32> to vector<512x128xf32>
      %eq3A_128 = arith.cmpf oeq, %select_n3A_115, %eq3A_127 : vector<512x128xf32>
      %eq3A_129 = vector.broadcast %broadcast_in_dim3A_126 : vector<512x1xf32> to vector<512x128xf32>
      %eq3A_130 = arith.cmpf oeq, %get3A_112, %eq3A_129 : vector<512x128xf32>
      %and3A = arith.andi %eq3A_128, %eq3A_130 : vector<512x128xi1>
      %lt3A_131 = arith.cmpf olt, %broadcast_in_dim3A_90, %broadcast_in_dim3A_118 : vector<512x1xf32>
      %and3A_132 = vector.broadcast %lt3A_131 : vector<512x1xi1> to vector<512x128xi1>
      %and3A_133 = arith.andi %and3A, %and3A_132 : vector<512x128xi1>
      %broadcast_in_dim3A_134 = vector.shape_cast %broadcast_in_dim3A_90 : vector<512x1xf32> to vector<512x1xf32>
      %broadcast_in_dim3A_135 = vector.broadcast %broadcast_in_dim3A_134 : vector<512x1xf32> to vector<512x128xf32>
      %select_n3A_136 = arith.select %and3A_133, %broadcast_in_dim3A_135, %get3A_109 : vector<512x128xi1>, vector<512x128xf32>
      %swap3A_137 = arith.constant 0 : index
      %swap3A_138 = arith.constant 0 : index
      %swap3A_139 = vector.load %arg8[%swap3A_137, %swap3A_138] : memref<512x128xf32, #tpu.memory_space<vmem>>, vector<512x128xf32>
      tpu.vector_store %arg8[%swap3A_137, %swap3A_138], %select_n3A_136 {strides = array<i32>} : memref<512x128xf32, #tpu.memory_space<vmem>>, vector<512x128xf32>,
      %broadcast_in_dim3A_140 = vector.shape_cast %broadcast_in_dim3A_98 : vector<512x1xf32> to vector<512x1xf32>
      %broadcast_in_dim3A_141 = vector.broadcast %broadcast_in_dim3A_140 : vector<512x1xf32> to vector<512x128xf32>
      %select_n3A_142 = arith.select %and3A_133, %broadcast_in_dim3A_141, %get3A_112 : vector<512x128xi1>, vector<512x128xf32>
      %swap3A_143 = arith.constant 0 : index
      %swap3A_144 = arith.constant 0 : index
      %swap3A_145 = vector.load %arg9[%swap3A_143, %swap3A_144] : memref<512x128xf32, #tpu.memory_space<vmem>>, vector<512x128xf32>
      tpu.vector_store %arg9[%swap3A_143, %swap3A_144], %select_n3A_142 {strides = array<i32>} : memref<512x128xf32, #tpu.memory_space<vmem>>, vector<512x128xf32>,
    }
    %while3A_80 = arith.constant 1 : i32
    scf.for %while3A_85 = %while3A_78 to %while3A_74 step %while3A_80  : i32 {
      %get3A_86 = arith.constant 0 : index
      %get3A_87 = arith.constant 0 : index
      %get3A_88 = vector.load %arg10[%get3A_86, %get3A_87] : memref<512x1024xf32, #tpu.memory_space<vmem>>, vector<512x1024xf32>
      %reduce_min3A = arith.constant dense<0x7F800000> : vector<512xf32>
      %reduce_min3A_89 = vector.multi_reduction <minimumf>, %get3A_88, %reduce_min3A [1] : vector<512x1024xf32> to vector<512xf32>
      %broadcast_in_dim3A_90 = vector.shape_cast %reduce_min3A_89 : vector<512xf32> to vector<512x1xf32>
      %eq3A_91 = vector.broadcast %broadcast_in_dim3A_90 : vector<512x1xf32> to vector<512x1024xf32>
      %eq3A_92 = arith.cmpf oeq, %get3A_88, %eq3A_91 : vector<512x1024xf32>
      %jit3A_93 = arith.constant 1.000000e+09 : f32
      %broadcast_in_dim3A_94 = vector.broadcast %jit3A_93 : f32 to vector<512x1024xf32>
      %select_n3A_95 = arith.select %eq3A_92, %add3A_21, %broadcast_in_dim3A_94 : vector<512x1024xi1>, vector<512x1024xf32>
      %reduce_min3A_96 = arith.constant dense<0x7F800000> : vector<512xf32>
      %reduce_min3A_97 = vector.multi_reduction <minimumf>, %select_n3A_95, %reduce_min3A_96 [1] : vector<512x1024xf32> to vector<512xf32>
      %broadcast_in_dim3A_98 = vector.shape_cast %reduce_min3A_97 : vector<512xf32> to vector<512x1xf32>
      %eq3A_99 = vector.broadcast %broadcast_in_dim3A_98 : vector<512x1xf32> to vector<512x1024xf32>
      %eq3A_100 = arith.cmpf oeq, %add3A_21, %eq3A_99 : vector<512x1024xf32>
      %jit3A_101 = arith.constant 3.000000e+38 : f32
      %broadcast_in_dim3A_102 = vector.broadcast %jit3A_101 : f32 to vector<512x1024xf32>
      %select_n3A_103 = arith.select %eq3A_100, %broadcast_in_dim3A_102, %get3A_88 : vector<512x1024xi1>, vector<512x1024xf32>
      %swap3A_104 = arith.constant 0 : index
      %swap3A_105 = arith.constant 0 : index
      %swap3A_106 = vector.load %arg10[%swap3A_104, %swap3A_105] : memref<512x1024xf32, #tpu.memory_space<vmem>>, vector<512x1024xf32>
      tpu.vector_store %arg10[%swap3A_104, %swap3A_105], %select_n3A_103 {strides = array<i32>} : memref<512x1024xf32, #tpu.memory_space<vmem>>, vector<512x1024xf32>,
      %get3A_107 = arith.constant 0 : index
      %get3A_108 = arith.constant 0 : index
      %get3A_109 = vector.load %arg8[%get3A_107, %get3A_108] : memref<512x128xf32, #tpu.memory_space<vmem>>, vector<512x128xf32>
      %get3A_110 = arith.constant 0 : index
      %get3A_111 = arith.constant 0 : index
      %get3A_112 = vector.load %arg9[%get3A_110, %get3A_111] : memref<512x128xf32, #tpu.memory_space<vmem>>, vector<512x128xf32>
      %jit3A_113 = arith.constant -3.000000e+38 : f32
      %broadcast_in_dim3A_114 = vector.broadcast %jit3A_113 : f32 to vector<512x128xf32>
      %select_n3A_115 = arith.select %lt3A_25, %get3A_109, %broadcast_in_dim3A_114 : vector<512x128xi1>, vector<512x128xf32>
      %reduce_max3A_116 = arith.constant dense<0xFF800000> : vector<512xf32>
      %reduce_max3A_117 = vector.multi_reduction <maximumf>, %select_n3A_115, %reduce_max3A_116 [1] : vector<512x128xf32> to vector<512xf32>
      %broadcast_in_dim3A_118 = vector.shape_cast %reduce_max3A_117 : vector<512xf32> to vector<512x1xf32>
      %eq3A_119 = vector.broadcast %broadcast_in_dim3A_118 : vector<512x1xf32> to vector<512x128xf32>
      %eq3A_120 = arith.cmpf oeq, %select_n3A_115, %eq3A_119 : vector<512x128xf32>
      %jit3A_121 = arith.constant -1.000000e+00 : f32
      %broadcast_in_dim3A_122 = vector.broadcast %jit3A_121 : f32 to vector<512x128xf32>
      %select_n3A_123 = arith.select %eq3A_120, %get3A_112, %broadcast_in_dim3A_122 : vector<512x128xi1>, vector<512x128xf32>
      %reduce_max3A_124 = arith.constant dense<0xFF800000> : vector<512xf32>
      %reduce_max3A_125 = vector.multi_reduction <maximumf>, %select_n3A_123, %reduce_max3A_124 [1] : vector<512x128xf32> to vector<512xf32>
      %broadcast_in_dim3A_126 = vector.shape_cast %reduce_max3A_125 : vector<512xf32> to vector<512x1xf32>
      %eq3A_127 = vector.broadcast %broadcast_in_dim3A_118 : vector<512x1xf32> to vector<512x128xf32>
      %eq3A_128 = arith.cmpf oeq, %select_n3A_115, %eq3A_127 : vector<512x128xf32>
      %eq3A_129 = vector.broadcast %broadcast_in_dim3A_126 : vector<512x1xf32> to vector<512x128xf32>
      %eq3A_130 = arith.cmpf oeq, %get3A_112, %eq3A_129 : vector<512x128xf32>
      %and3A = arith.andi %eq3A_128, %eq3A_130 : vector<512x128xi1>
      %lt3A_131 = arith.cmpf olt, %broadcast_in_dim3A_90, %broadcast_in_dim3A_118 : vector<512x1xf32>
      %and3A_132 = vector.broadcast %lt3A_131 : vector<512x1xi1> to vector<512x128xi1>
      %and3A_133 = arith.andi %and3A, %and3A_132 : vector<512x128xi1>
      %broadcast_in_dim3A_134 = vector.shape_cast %broadcast_in_dim3A_90 : vector<512x1xf32> to vector<512x1xf32>
      %broadcast_in_dim3A_135 = vector.broadcast %broadcast_in_dim3A_134 : vector<512x1xf32> to vector<512x128xf32>
      %select_n3A_136 = arith.select %and3A_133, %broadcast_in_dim3A_135, %get3A_109 : vector<512x128xi1>, vector<512x128xf32>
      %swap3A_137 = arith.constant 0 : index
      %swap3A_138 = arith.constant 0 : index
      %swap3A_139 = vector.load %arg8[%swap3A_137, %swap3A_138] : memref<512x128xf32, #tpu.memory_space<vmem>>, vector<512x128xf32>
      tpu.vector_store %arg8[%swap3A_137, %swap3A_138], %select_n3A_136 {strides = array<i32>} : memref<512x128xf32, #tpu.memory_space<vmem>>, vector<512x128xf32>,
      %broadcast_in_dim3A_140 = vector.shape_cast %broadcast_in_dim3A_98 : vector<512x1xf32> to vector<512x1xf32>
      %broadcast_in_dim3A_141 = vector.broadcast %broadcast_in_dim3A_140 : vector<512x1xf32> to vector<512x128xf32>
      %select_n3A_142 = arith.select %and3A_133, %broadcast_in_dim3A_141, %get3A_112 : vector<512x128xi1>, vector<512x128xf32>
      %swap3A_143 = arith.constant 0 : index
      %swap3A_144 = arith.constant 0 : index
      %swap3A_145 = vector.load %arg9[%swap3A_143, %swap3A_144] : memref<512x128xf32, #tpu.memory_space<vmem>>, vector<512x128xf32>
      tpu.vector_store %arg9[%swap3A_143, %swap3A_144], %select_n3A_142 {strides = array<i32>} : memref<512x128xf32, #tpu.memory_space<vmem>>, vector<512x128xf32>,
    }
    %eq3A_81 = arith.constant 97 : i32
    %eq3A_82 = arith.cmpi eq, %arg1, %eq3A_81 : i32
    %convert_element_type3A_83 = arith.extui %eq3A_82 : i1 to i32
    %cond3A = arith.constant 0 : i32
    %cond3A_84 = arith.cmpi ne, %convert_element_type3A_83, %cond3A : i32
    scf.if %cond3A_84 {
      %get3A_85 = arith.constant 0 : index
      %get3A_86 = arith.constant 0 : index
      %get3A_87 = vector.load %arg8[%get3A_85, %get3A_86] : memref<512x128xf32, #tpu.memory_space<vmem>>, vector<512x128xf32>
      %jit3A_88 = arith.constant 3.000000e+38 : f32
      %broadcast_in_dim3A_89 = vector.broadcast %jit3A_88 : f32 to vector<512x128xf32>
      %select_n3A_90 = arith.select %lt3A_25, %get3A_87, %broadcast_in_dim3A_89 : vector<512x128xi1>, vector<512x128xf32>
      %get3A_91 = arith.constant 0 : index
      %get3A_92 = arith.constant 0 : index
      %get3A_93 = vector.load %arg9[%get3A_91, %get3A_92] : memref<512x128xf32, #tpu.memory_space<vmem>>, vector<512x128xf32>
      %broadcast_in_dim3A_94 = arith.constant 3.000000e+38 : f32
      %broadcast_in_dim3A_95 = vector.broadcast %broadcast_in_dim3A_94 : f32 to vector<512x128xf32>
      %broadcast_in_dim3A_96 = arith.constant 1.000000e+09 : f32
      %broadcast_in_dim3A_97 = vector.broadcast %broadcast_in_dim3A_96 : f32 to vector<512x128xf32>
      %reduce_min3A = arith.constant dense<0x7F800000> : vector<512xf32>
      %reduce_min3A_98 = vector.multi_reduction <minimumf>, %select_n3A_90, %reduce_min3A [1] : vector<512x128xf32> to vector<512xf32>
      %broadcast_in_dim3A_99 = vector.shape_cast %reduce_min3A_98 : vector<512xf32> to vector<512x1xf32>
      %eq3A_100 = vector.broadcast %broadcast_in_dim3A_99 : vector<512x1xf32> to vector<512x128xf32>
      %eq3A_101 = arith.cmpf oeq, %select_n3A_90, %eq3A_100 : vector<512x128xf32>
      %jit3A_102 = arith.constant 1.000000e+09 : f32
      %broadcast_in_dim3A_103 = vector.broadcast %jit3A_102 : f32 to vector<512x128xf32>
      %select_n3A_104 = arith.select %eq3A_101, %get3A_93, %broadcast_in_dim3A_103 : vector<512x128xi1>, vector<512x128xf32>
      %reduce_min3A_105 = arith.constant dense<0x7F800000> : vector<512xf32>
      %reduce_min3A_106 = vector.multi_reduction <minimumf>, %select_n3A_104, %reduce_min3A_105 [1] : vector<512x128xf32> to vector<512xf32>
      %broadcast_in_dim3A_107 = vector.shape_cast %reduce_min3A_106 : vector<512xf32> to vector<512x1xf32>
      %eq3A_108 = vector.broadcast %broadcast_in_dim3A_107 : vector<512x1xf32> to vector<512x128xf32>
      %eq3A_109 = arith.cmpf oeq, %get3A_93, %eq3A_108 : vector<512x128xf32>
      %jit3A_110 = arith.constant 3.000000e+38 : f32
      %broadcast_in_dim3A_111 = vector.broadcast %jit3A_110 : f32 to vector<512x128xf32>
      %select_n3A_112 = arith.select %eq3A_109, %broadcast_in_dim3A_111, %select_n3A_90 : vector<512x128xi1>, vector<512x128xf32>
      %eq3A_113 = arith.constant 0.000000e+00 : f32
      %eq3A_114 = vector.broadcast %eq3A_113 : f32 to vector<512x128xf32>
      %eq3A_115 = arith.cmpf oeq, %convert_element_type3A_23, %eq3A_114 : vector<512x128xf32>
      %broadcast_in_dim3A_116 = vector.shape_cast %broadcast_in_dim3A_99 : vector<512x1xf32> to vector<512x1xf32>
      %broadcast_in_dim3A_117 = vector.broadcast %broadcast_in_dim3A_116 : vector<512x1xf32> to vector<512x128xf32>
      %select_n3A_118 = arith.select %eq3A_115, %broadcast_in_dim3A_117, %broadcast_in_dim3A_95 : vector<512x128xi1>, vector<512x128xf32>
      %eq3A_119 = arith.constant 0.000000e+00 : f32
      %eq3A_120 = vector.broadcast %eq3A_119 : f32 to vector<512x128xf32>
      %eq3A_121 = arith.cmpf oeq, %convert_element_type3A_23, %eq3A_120 : vector<512x128xf32>
      %broadcast_in_dim3A_122 = vector.shape_cast %broadcast_in_dim3A_107 : vector<512x1xf32> to vector<512x1xf32>
      %broadcast_in_dim3A_123 = vector.broadcast %broadcast_in_dim3A_122 : vector<512x1xf32> to vector<512x128xf32>
      %select_n3A_124 = arith.select %eq3A_121, %broadcast_in_dim3A_123, %broadcast_in_dim3A_97 : vector<512x128xi1>, vector<512x128xf32>
      %reduce_min3A_125 = arith.constant dense<0x7F800000> : vector<512xf32>
      %reduce_min3A_126 = vector.multi_reduction <minimumf>, %select_n3A_112, %reduce_min3A_125 [1] : vector<512x128xf32> to vector<512xf32>
      %broadcast_in_dim3A_127 = vector.shape_cast %reduce_min3A_126 : vector<512xf32> to vector<512x1xf32>
      %eq3A_128 = vector.broadcast %broadcast_in_dim3A_127 : vector<512x1xf32> to vector<512x128xf32>
      %eq3A_129 = arith.cmpf oeq, %select_n3A_112, %eq3A_128 : vector<512x128xf32>
      %jit3A_130 = arith.constant 1.000000e+09 : f32
      %broadcast_in_dim3A_131 = vector.broadcast %jit3A_130 : f32 to vector<512x128xf32>
      %select_n3A_132 = arith.select %eq3A_129, %get3A_93, %broadcast_in_dim3A_131 : vector<512x128xi1>, vector<512x128xf32>
      %reduce_min3A_133 = arith.constant dense<0x7F800000> : vector<512xf32>
      %reduce_min3A_134 = vector.multi_reduction <minimumf>, %select_n3A_132, %reduce_min3A_133 [1] : vector<512x128xf32> to vector<512xf32>
      %broadcast_in_dim3A_135 = vector.shape_cast %reduce_min3A_134 : vector<512xf32> to vector<512x1xf32>
      %eq3A_136 = vector.broadcast %broadcast_in_dim3A_135 : vector<512x1xf32> to vector<512x128xf32>
      %eq3A_137 = arith.cmpf oeq, %get3A_93, %eq3A_136 : vector<512x128xf32>
      %jit3A_138 = arith.constant 3.000000e+38 : f32
      %broadcast_in_dim3A_139 = vector.broadcast %jit3A_138 : f32 to vector<512x128xf32>
      %select_n3A_140 = arith.select %eq3A_137, %broadcast_in_dim3A_139, %select_n3A_112 : vector<512x128xi1>, vector<512x128xf32>
      %eq3A_141 = arith.constant 1.000000e+00 : f32
      %eq3A_142 = vector.broadcast %eq3A_141 : f32 to vector<512x128xf32>
      %eq3A_143 = arith.cmpf oeq, %convert_element_type3A_23, %eq3A_142 : vector<512x128xf32>
      %broadcast_in_dim3A_144 = vector.shape_cast %broadcast_in_dim3A_127 : vector<512x1xf32> to vector<512x1xf32>
      %broadcast_in_dim3A_145 = vector.broadcast %broadcast_in_dim3A_144 : vector<512x1xf32> to vector<512x128xf32>
      %select_n3A_146 = arith.select %eq3A_143, %broadcast_in_dim3A_145, %select_n3A_118 : vector<512x128xi1>, vector<512x128xf32>
      %eq3A_147 = arith.constant 1.000000e+00 : f32
      %eq3A_148 = vector.broadcast %eq3A_147 : f32 to vector<512x128xf32>
      %eq3A_149 = arith.cmpf oeq, %convert_element_type3A_23, %eq3A_148 : vector<512x128xf32>
      %broadcast_in_dim3A_150 = vector.shape_cast %broadcast_in_dim3A_135 : vector<512x1xf32> to vector<512x1xf32>
      %broadcast_in_dim3A_151 = vector.broadcast %broadcast_in_dim3A_150 : vector<512x1xf32> to vector<512x128xf32>
      %select_n3A_152 = arith.select %eq3A_149, %broadcast_in_dim3A_151, %select_n3A_124 : vector<512x128xi1>, vector<512x128xf32>
      %reduce_min3A_153 = arith.constant dense<0x7F800000> : vector<512xf32>
      %reduce_min3A_154 = vector.multi_reduction <minimumf>, %select_n3A_140, %reduce_min3A_153 [1] : vector<512x128xf32> to vector<512xf32>
      %broadcast_in_dim3A_155 = vector.shape_cast %reduce_min3A_154 : vector<512xf32> to vector<512x1xf32>
      %eq3A_156 = vector.broadcast %broadcast_in_dim3A_155 : vector<512x1xf32> to vector<512x128xf32>
      %eq3A_157 = arith.cmpf oeq, %select_n3A_140, %eq3A_156 : vector<512x128xf32>
      %jit3A_158 = arith.constant 1.000000e+09 : f32
      %broadcast_in_dim3A_159 = vector.broadcast %jit3A_158 : f32 to vector<512x128xf32>
      %select_n3A_160 = arith.select %eq3A_157, %get3A_93, %broadcast_in_dim3A_159 : vector<512x128xi1>, vector<512x128xf32>
      %reduce_min3A_161 = arith.constant dense<0x7F800000> : vector<512xf32>
      %reduce_min3A_162 = vector.multi_reduction <minimumf>, %select_n3A_160, %reduce_min3A_161 [1] : vector<512x128xf32> to vector<512xf32>
      %broadcast_in_dim3A_163 = vector.shape_cast %reduce_min3A_162 : vector<512xf32> to vector<512x1xf32>
      %eq3A_164 = vector.broadcast %broadcast_in_dim3A_163 : vector<512x1xf32> to vector<512x128xf32>
      %eq3A_165 = arith.cmpf oeq, %get3A_93, %eq3A_164 : vector<512x128xf32>
      %jit3A_166 = arith.constant 3.000000e+38 : f32
      %broadcast_in_dim3A_167 = vector.broadcast %jit3A_166 : f32 to vector<512x128xf32>
      %select_n3A_168 = arith.select %eq3A_165, %broadcast_in_dim3A_167, %select_n3A_140 : vector<512x128xi1>, vector<512x128xf32>
      %eq3A_169 = arith.constant 2.000000e+00 : f32
      %eq3A_170 = vector.broadcast %eq3A_169 : f32 to vector<512x128xf32>
      %eq3A_171 = arith.cmpf oeq, %convert_element_type3A_23, %eq3A_170 : vector<512x128xf32>
      %broadcast_in_dim3A_172 = vector.shape_cast %broadcast_in_dim3A_155 : vector<512x1xf32> to vector<512x1xf32>
      %broadcast_in_dim3A_173 = vector.broadcast %broadcast_in_dim3A_172 : vector<512x1xf32> to vector<512x128xf32>
      %select_n3A_174 = arith.select %eq3A_171, %broadcast_in_dim3A_173, %select_n3A_146 : vector<512x128xi1>, vector<512x128xf32>
      %eq3A_175 = arith.constant 2.000000e+00 : f32
      %eq3A_176 = vector.broadcast %eq3A_175 : f32 to vector<512x128xf32>
      %eq3A_177 = arith.cmpf oeq, %convert_element_type3A_23, %eq3A_176 : vector<512x128xf32>
      %broadcast_in_dim3A_178 = vector.shape_cast %broadcast_in_dim3A_163 : vector<512x1xf32> to vector<512x1xf32>
      %broadcast_in_dim3A_179 = vector.broadcast %broadcast_in_dim3A_178 : vector<512x1xf32> to vector<512x128xf32>
      %select_n3A_180 = arith.select %eq3A_177, %broadcast_in_dim3A_179, %select_n3A_152 : vector<512x128xi1>, vector<512x128xf32>
      %reduce_min3A_181 = arith.constant dense<0x7F800000> : vector<512xf32>
      %reduce_min3A_182 = vector.multi_reduction <minimumf>, %select_n3A_168, %reduce_min3A_181 [1] : vector<512x128xf32> to vector<512xf32>
      %broadcast_in_dim3A_183 = vector.shape_cast %reduce_min3A_182 : vector<512xf32> to vector<512x1xf32>
      %eq3A_184 = vector.broadcast %broadcast_in_dim3A_183 : vector<512x1xf32> to vector<512x128xf32>
      %eq3A_185 = arith.cmpf oeq, %select_n3A_168, %eq3A_184 : vector<512x128xf32>
      %jit3A_186 = arith.constant 1.000000e+09 : f32
      %broadcast_in_dim3A_187 = vector.broadcast %jit3A_186 : f32 to vector<512x128xf32>
      %select_n3A_188 = arith.select %eq3A_185, %get3A_93, %broadcast_in_dim3A_187 : vector<512x128xi1>, vector<512x128xf32>
      %reduce_min3A_189 = arith.constant dense<0x7F800000> : vector<512xf32>
      %reduce_min3A_190 = vector.multi_reduction <minimumf>, %select_n3A_188, %reduce_min3A_189 [1] : vector<512x128xf32> to vector<512xf32>
      %broadcast_in_dim3A_191 = vector.shape_cast %reduce_min3A_190 : vector<512xf32> to vector<512x1xf32>
      %eq3A_192 = vector.broadcast %broadcast_in_dim3A_191 : vector<512x1xf32> to vector<512x128xf32>
      %eq3A_193 = arith.cmpf oeq, %get3A_93, %eq3A_192 : vector<512x128xf32>
      %jit3A_194 = arith.constant 3.000000e+38 : f32
      %broadcast_in_dim3A_195 = vector.broadcast %jit3A_194 : f32 to vector<512x128xf32>
      %select_n3A_196 = arith.select %eq3A_193, %broadcast_in_dim3A_195, %select_n3A_168 : vector<512x128xi1>, vector<512x128xf32>
      %eq3A_197 = arith.constant 3.000000e+00 : f32
      %eq3A_198 = vector.broadcast %eq3A_197 : f32 to vector<512x128xf32>
      %eq3A_199 = arith.cmpf oeq, %convert_element_type3A_23, %eq3A_198 : vector<512x128xf32>
      %broadcast_in_dim3A_200 = vector.shape_cast %broadcast_in_dim3A_183 : vector<512x1xf32> to vector<512x1xf32>
      %broadcast_in_dim3A_201 = vector.broadcast %broadcast_in_dim3A_200 : vector<512x1xf32> to vector<512x128xf32>
      %select_n3A_202 = arith.select %eq3A_199, %broadcast_in_dim3A_201, %select_n3A_174 : vector<512x128xi1>, vector<512x128xf32>
      %eq3A_203 = arith.constant 3.000000e+00 : f32
      %eq3A_204 = vector.broadcast %eq3A_203 : f32 to vector<512x128xf32>
      %eq3A_205 = arith.cmpf oeq, %convert_element_type3A_23, %eq3A_204 : vector<512x128xf32>
      %broadcast_in_dim3A_206 = vector.shape_cast %broadcast_in_dim3A_191 : vector<512x1xf32> to vector<512x1xf32>
      %broadcast_in_dim3A_207 = vector.broadcast %broadcast_in_dim3A_206 : vector<512x1xf32> to vector<512x128xf32>
      %select_n3A_208 = arith.select %eq3A_205, %broadcast_in_dim3A_207, %select_n3A_180 : vector<512x128xi1>, vector<512x128xf32>
      %reduce_min3A_209 = arith.constant dense<0x7F800000> : vector<512xf32>
      %reduce_min3A_210 = vector.multi_reduction <minimumf>, %select_n3A_196, %reduce_min3A_209 [1] : vector<512x128xf32> to vector<512xf32>
      %broadcast_in_dim3A_211 = vector.shape_cast %reduce_min3A_210 : vector<512xf32> to vector<512x1xf32>
      %eq3A_212 = vector.broadcast %broadcast_in_dim3A_211 : vector<512x1xf32> to vector<512x128xf32>
      %eq3A_213 = arith.cmpf oeq, %select_n3A_196, %eq3A_212 : vector<512x128xf32>
      %jit3A_214 = arith.constant 1.000000e+09 : f32
      %broadcast_in_dim3A_215 = vector.broadcast %jit3A_214 : f32 to vector<512x128xf32>
      %select_n3A_216 = arith.select %eq3A_213, %get3A_93, %broadcast_in_dim3A_215 : vector<512x128xi1>, vector<512x128xf32>
      %reduce_min3A_217 = arith.constant dense<0x7F800000> : vector<512xf32>
      %reduce_min3A_218 = vector.multi_reduction <minimumf>, %select_n3A_216, %reduce_min3A_217 [1] : vector<512x128xf32> to vector<512xf32>
      %broadcast_in_dim3A_219 = vector.shape_cast %reduce_min3A_218 : vector<512xf32> to vector<512x1xf32>
      %eq3A_220 = vector.broadcast %broadcast_in_dim3A_219 : vector<512x1xf32> to vector<512x128xf32>
      %eq3A_221 = arith.cmpf oeq, %get3A_93, %eq3A_220 : vector<512x128xf32>
      %jit3A_222 = arith.constant 3.000000e+38 : f32
      %broadcast_in_dim3A_223 = vector.broadcast %jit3A_222 : f32 to vector<512x128xf32>
      %select_n3A_224 = arith.select %eq3A_221, %broadcast_in_dim3A_223, %select_n3A_196 : vector<512x128xi1>, vector<512x128xf32>
      %eq3A_225 = arith.constant 4.000000e+00 : f32
      %eq3A_226 = vector.broadcast %eq3A_225 : f32 to vector<512x128xf32>
      %eq3A_227 = arith.cmpf oeq, %convert_element_type3A_23, %eq3A_226 : vector<512x128xf32>
      %broadcast_in_dim3A_228 = vector.shape_cast %broadcast_in_dim3A_211 : vector<512x1xf32> to vector<512x1xf32>
      %broadcast_in_dim3A_229 = vector.broadcast %broadcast_in_dim3A_228 : vector<512x1xf32> to vector<512x128xf32>
      %select_n3A_230 = arith.select %eq3A_227, %broadcast_in_dim3A_229, %select_n3A_202 : vector<512x128xi1>, vector<512x128xf32>
      %eq3A_231 = arith.constant 4.000000e+00 : f32
      %eq3A_232 = vector.broadcast %eq3A_231 : f32 to vector<512x128xf32>
      %eq3A_233 = arith.cmpf oeq, %convert_element_type3A_23, %eq3A_232 : vector<512x128xf32>
      %broadcast_in_dim3A_234 = vector.shape_cast %broadcast_in_dim3A_219 : vector<512x1xf32> to vector<512x1xf32>
      %broadcast_in_dim3A_235 = vector.broadcast %broadcast_in_dim3A_234 : vector<512x1xf32> to vector<512x128xf32>
      %select_n3A_236 = arith.select %eq3A_233, %broadcast_in_dim3A_235, %select_n3A_208 : vector<512x128xi1>, vector<512x128xf32>
      %reduce_min3A_237 = arith.constant dense<0x7F800000> : vector<512xf32>
      %reduce_min3A_238 = vector.multi_reduction <minimumf>, %select_n3A_224, %reduce_min3A_237 [1] : vector<512x128xf32> to vector<512xf32>
      %broadcast_in_dim3A_239 = vector.shape_cast %reduce_min3A_238 : vector<512xf32> to vector<512x1xf32>
      %eq3A_240 = vector.broadcast %broadcast_in_dim3A_239 : vector<512x1xf32> to vector<512x128xf32>
      %eq3A_241 = arith.cmpf oeq, %select_n3A_224, %eq3A_240 : vector<512x128xf32>
      %jit3A_242 = arith.constant 1.000000e+09 : f32
      %broadcast_in_dim3A_243 = vector.broadcast %jit3A_242 : f32 to vector<512x128xf32>
      %select_n3A_244 = arith.select %eq3A_241, %get3A_93, %broadcast_in_dim3A_243 : vector<512x128xi1>, vector<512x128xf32>
      %reduce_min3A_245 = arith.constant dense<0x7F800000> : vector<512xf32>
      %reduce_min3A_246 = vector.multi_reduction <minimumf>, %select_n3A_244, %reduce_min3A_245 [1] : vector<512x128xf32> to vector<512xf32>
      %broadcast_in_dim3A_247 = vector.shape_cast %reduce_min3A_246 : vector<512xf32> to vector<512x1xf32>
      %eq3A_248 = vector.broadcast %broadcast_in_dim3A_247 : vector<512x1xf32> to vector<512x128xf32>
      %eq3A_249 = arith.cmpf oeq, %get3A_93, %eq3A_248 : vector<512x128xf32>
      %jit3A_250 = arith.constant 3.000000e+38 : f32
      %broadcast_in_dim3A_251 = vector.broadcast %jit3A_250 : f32 to vector<512x128xf32>
      %select_n3A_252 = arith.select %eq3A_249, %broadcast_in_dim3A_251, %select_n3A_224 : vector<512x128xi1>, vector<512x128xf32>
      %eq3A_253 = arith.constant 5.000000e+00 : f32
      %eq3A_254 = vector.broadcast %eq3A_253 : f32 to vector<512x128xf32>
      %eq3A_255 = arith.cmpf oeq, %convert_element_type3A_23, %eq3A_254 : vector<512x128xf32>
      %broadcast_in_dim3A_256 = vector.shape_cast %broadcast_in_dim3A_239 : vector<512x1xf32> to vector<512x1xf32>
      %broadcast_in_dim3A_257 = vector.broadcast %broadcast_in_dim3A_256 : vector<512x1xf32> to vector<512x128xf32>
      %select_n3A_258 = arith.select %eq3A_255, %broadcast_in_dim3A_257, %select_n3A_230 : vector<512x128xi1>, vector<512x128xf32>
      %eq3A_259 = arith.constant 5.000000e+00 : f32
      %eq3A_260 = vector.broadcast %eq3A_259 : f32 to vector<512x128xf32>
      %eq3A_261 = arith.cmpf oeq, %convert_element_type3A_23, %eq3A_260 : vector<512x128xf32>
      %broadcast_in_dim3A_262 = vector.shape_cast %broadcast_in_dim3A_247 : vector<512x1xf32> to vector<512x1xf32>
      %broadcast_in_dim3A_263 = vector.broadcast %broadcast_in_dim3A_262 : vector<512x1xf32> to vector<512x128xf32>
      %select_n3A_264 = arith.select %eq3A_261, %broadcast_in_dim3A_263, %select_n3A_236 : vector<512x128xi1>, vector<512x128xf32>
      %reduce_min3A_265 = arith.constant dense<0x7F800000> : vector<512xf32>
      %reduce_min3A_266 = vector.multi_reduction <minimumf>, %select_n3A_252, %reduce_min3A_265 [1] : vector<512x128xf32> to vector<512xf32>
      %broadcast_in_dim3A_267 = vector.shape_cast %reduce_min3A_266 : vector<512xf32> to vector<512x1xf32>
      %eq3A_268 = vector.broadcast %broadcast_in_dim3A_267 : vector<512x1xf32> to vector<512x128xf32>
      %eq3A_269 = arith.cmpf oeq, %select_n3A_252, %eq3A_268 : vector<512x128xf32>
      %jit3A_270 = arith.constant 1.000000e+09 : f32
      %broadcast_in_dim3A_271 = vector.broadcast %jit3A_270 : f32 to vector<512x128xf32>
      %select_n3A_272 = arith.select %eq3A_269, %get3A_93, %broadcast_in_dim3A_271 : vector<512x128xi1>, vector<512x128xf32>
      %reduce_min3A_273 = arith.constant dense<0x7F800000> : vector<512xf32>
      %reduce_min3A_274 = vector.multi_reduction <minimumf>, %select_n3A_272, %reduce_min3A_273 [1] : vector<512x128xf32> to vector<512xf32>
      %broadcast_in_dim3A_275 = vector.shape_cast %reduce_min3A_274 : vector<512xf32> to vector<512x1xf32>
      %eq3A_276 = vector.broadcast %broadcast_in_dim3A_275 : vector<512x1xf32> to vector<512x128xf32>
      %eq3A_277 = arith.cmpf oeq, %get3A_93, %eq3A_276 : vector<512x128xf32>
      %jit3A_278 = arith.constant 3.000000e+38 : f32
      %broadcast_in_dim3A_279 = vector.broadcast %jit3A_278 : f32 to vector<512x128xf32>
      %select_n3A_280 = arith.select %eq3A_277, %broadcast_in_dim3A_279, %select_n3A_252 : vector<512x128xi1>, vector<512x128xf32>
      %eq3A_281 = arith.constant 6.000000e+00 : f32
      %eq3A_282 = vector.broadcast %eq3A_281 : f32 to vector<512x128xf32>
      %eq3A_283 = arith.cmpf oeq, %convert_element_type3A_23, %eq3A_282 : vector<512x128xf32>
      %broadcast_in_dim3A_284 = vector.shape_cast %broadcast_in_dim3A_267 : vector<512x1xf32> to vector<512x1xf32>
      %broadcast_in_dim3A_285 = vector.broadcast %broadcast_in_dim3A_284 : vector<512x1xf32> to vector<512x128xf32>
      %select_n3A_286 = arith.select %eq3A_283, %broadcast_in_dim3A_285, %select_n3A_258 : vector<512x128xi1>, vector<512x128xf32>
      %eq3A_287 = arith.constant 6.000000e+00 : f32
      %eq3A_288 = vector.broadcast %eq3A_287 : f32 to vector<512x128xf32>
      %eq3A_289 = arith.cmpf oeq, %convert_element_type3A_23, %eq3A_288 : vector<512x128xf32>
      %broadcast_in_dim3A_290 = vector.shape_cast %broadcast_in_dim3A_275 : vector<512x1xf32> to vector<512x1xf32>
      %broadcast_in_dim3A_291 = vector.broadcast %broadcast_in_dim3A_290 : vector<512x1xf32> to vector<512x128xf32>
      %select_n3A_292 = arith.select %eq3A_289, %broadcast_in_dim3A_291, %select_n3A_264 : vector<512x128xi1>, vector<512x128xf32>
      %reduce_min3A_293 = arith.constant dense<0x7F800000> : vector<512xf32>
      %reduce_min3A_294 = vector.multi_reduction <minimumf>, %select_n3A_280, %reduce_min3A_293 [1] : vector<512x128xf32> to vector<512xf32>
      %broadcast_in_dim3A_295 = vector.shape_cast %reduce_min3A_294 : vector<512xf32> to vector<512x1xf32>
      %eq3A_296 = vector.broadcast %broadcast_in_dim3A_295 : vector<512x1xf32> to vector<512x128xf32>
      %eq3A_297 = arith.cmpf oeq, %select_n3A_280, %eq3A_296 : vector<512x128xf32>
      %jit3A_298 = arith.constant 1.000000e+09 : f32
      %broadcast_in_dim3A_299 = vector.broadcast %jit3A_298 : f32 to vector<512x128xf32>
      %select_n3A_300 = arith.select %eq3A_297, %get3A_93, %broadcast_in_dim3A_299 : vector<512x128xi1>, vector<512x128xf32>
      %reduce_min3A_301 = arith.constant dense<0x7F800000> : vector<512xf32>
      %reduce_min3A_302 = vector.multi_reduction <minimumf>, %select_n3A_300, %reduce_min3A_301 [1] : vector<512x128xf32> to vector<512xf32>
      %broadcast_in_dim3A_303 = vector.shape_cast %reduce_min3A_302 : vector<512xf32> to vector<512x1xf32>
      %eq3A_304 = vector.broadcast %broadcast_in_dim3A_303 : vector<512x1xf32> to vector<512x128xf32>
      %eq3A_305 = arith.cmpf oeq, %get3A_93, %eq3A_304 : vector<512x128xf32>
      %jit3A_306 = arith.constant 3.000000e+38 : f32
      %broadcast_in_dim3A_307 = vector.broadcast %jit3A_306 : f32 to vector<512x128xf32>
      %select_n3A_308 = arith.select %eq3A_305, %broadcast_in_dim3A_307, %select_n3A_280 : vector<512x128xi1>, vector<512x128xf32>
      %eq3A_309 = arith.constant 7.000000e+00 : f32
      %eq3A_310 = vector.broadcast %eq3A_309 : f32 to vector<512x128xf32>
      %eq3A_311 = arith.cmpf oeq, %convert_element_type3A_23, %eq3A_310 : vector<512x128xf32>
      %broadcast_in_dim3A_312 = vector.shape_cast %broadcast_in_dim3A_295 : vector<512x1xf32> to vector<512x1xf32>
      %broadcast_in_dim3A_313 = vector.broadcast %broadcast_in_dim3A_312 : vector<512x1xf32> to vector<512x128xf32>
      %select_n3A_314 = arith.select %eq3A_311, %broadcast_in_dim3A_313, %select_n3A_286 : vector<512x128xi1>, vector<512x128xf32>
      %eq3A_315 = arith.constant 7.000000e+00 : f32
      %eq3A_316 = vector.broadcast %eq3A_315 : f32 to vector<512x128xf32>
      %eq3A_317 = arith.cmpf oeq, %convert_element_type3A_23, %eq3A_316 : vector<512x128xf32>
      %broadcast_in_dim3A_318 = vector.shape_cast %broadcast_in_dim3A_303 : vector<512x1xf32> to vector<512x1xf32>
      %broadcast_in_dim3A_319 = vector.broadcast %broadcast_in_dim3A_318 : vector<512x1xf32> to vector<512x128xf32>
      %select_n3A_320 = arith.select %eq3A_317, %broadcast_in_dim3A_319, %select_n3A_292 : vector<512x128xi1>, vector<512x128xf32>
      %reduce_min3A_321 = arith.constant dense<0x7F800000> : vector<512xf32>
      %reduce_min3A_322 = vector.multi_reduction <minimumf>, %select_n3A_308, %reduce_min3A_321 [1] : vector<512x128xf32> to vector<512xf32>
      %broadcast_in_dim3A_323 = vector.shape_cast %reduce_min3A_322 : vector<512xf32> to vector<512x1xf32>
      %eq3A_324 = vector.broadcast %broadcast_in_dim3A_323 : vector<512x1xf32> to vector<512x128xf32>
      %eq3A_325 = arith.cmpf oeq, %select_n3A_308, %eq3A_324 : vector<512x128xf32>
      %jit3A_326 = arith.constant 1.000000e+09 : f32
      %broadcast_in_dim3A_327 = vector.broadcast %jit3A_326 : f32 to vector<512x128xf32>
      %select_n3A_328 = arith.select %eq3A_325, %get3A_93, %broadcast_in_dim3A_327 : vector<512x128xi1>, vector<512x128xf32>
      %reduce_min3A_329 = arith.constant dense<0x7F800000> : vector<512xf32>
      %reduce_min3A_330 = vector.multi_reduction <minimumf>, %select_n3A_328, %reduce_min3A_329 [1] : vector<512x128xf32> to vector<512xf32>
      %broadcast_in_dim3A_331 = vector.shape_cast %reduce_min3A_330 : vector<512xf32> to vector<512x1xf32>
      %eq3A_332 = vector.broadcast %broadcast_in_dim3A_331 : vector<512x1xf32> to vector<512x128xf32>
      %eq3A_333 = arith.cmpf oeq, %get3A_93, %eq3A_332 : vector<512x128xf32>
      %jit3A_334 = arith.constant 3.000000e+38 : f32
      %broadcast_in_dim3A_335 = vector.broadcast %jit3A_334 : f32 to vector<512x128xf32>
      %select_n3A_336 = arith.select %eq3A_333, %broadcast_in_dim3A_335, %select_n3A_308 : vector<512x128xi1>, vector<512x128xf32>
      %eq3A_337 = arith.constant 8.000000e+00 : f32
      %eq3A_338 = vector.broadcast %eq3A_337 : f32 to vector<512x128xf32>
      %eq3A_339 = arith.cmpf oeq, %convert_element_type3A_23, %eq3A_338 : vector<512x128xf32>
      %broadcast_in_dim3A_340 = vector.shape_cast %broadcast_in_dim3A_323 : vector<512x1xf32> to vector<512x1xf32>
      %broadcast_in_dim3A_341 = vector.broadcast %broadcast_in_dim3A_340 : vector<512x1xf32> to vector<512x128xf32>
      %select_n3A_342 = arith.select %eq3A_339, %broadcast_in_dim3A_341, %select_n3A_314 : vector<512x128xi1>, vector<512x128xf32>
      %eq3A_343 = arith.constant 8.000000e+00 : f32
      %eq3A_344 = vector.broadcast %eq3A_343 : f32 to vector<512x128xf32>
      %eq3A_345 = arith.cmpf oeq, %convert_element_type3A_23, %eq3A_344 : vector<512x128xf32>
      %broadcast_in_dim3A_346 = vector.shape_cast %broadcast_in_dim3A_331 : vector<512x1xf32> to vector<512x1xf32>
      %broadcast_in_dim3A_347 = vector.broadcast %broadcast_in_dim3A_346 : vector<512x1xf32> to vector<512x128xf32>
      %select_n3A_348 = arith.select %eq3A_345, %broadcast_in_dim3A_347, %select_n3A_320 : vector<512x128xi1>, vector<512x128xf32>
      %reduce_min3A_349 = arith.constant dense<0x7F800000> : vector<512xf32>
      %reduce_min3A_350 = vector.multi_reduction <minimumf>, %select_n3A_336, %reduce_min3A_349 [1] : vector<512x128xf32> to vector<512xf32>
      %broadcast_in_dim3A_351 = vector.shape_cast %reduce_min3A_350 : vector<512xf32> to vector<512x1xf32>
      %eq3A_352 = vector.broadcast %broadcast_in_dim3A_351 : vector<512x1xf32> to vector<512x128xf32>
      %eq3A_353 = arith.cmpf oeq, %select_n3A_336, %eq3A_352 : vector<512x128xf32>
      %jit3A_354 = arith.constant 1.000000e+09 : f32
      %broadcast_in_dim3A_355 = vector.broadcast %jit3A_354 : f32 to vector<512x128xf32>
      %select_n3A_356 = arith.select %eq3A_353, %get3A_93, %broadcast_in_dim3A_355 : vector<512x128xi1>, vector<512x128xf32>
      %reduce_min3A_357 = arith.constant dense<0x7F800000> : vector<512xf32>
      %reduce_min3A_358 = vector.multi_reduction <minimumf>, %select_n3A_356, %reduce_min3A_357 [1] : vector<512x128xf32> to vector<512xf32>
      %broadcast_in_dim3A_359 = vector.shape_cast %reduce_min3A_358 : vector<512xf32> to vector<512x1xf32>
      %eq3A_360 = vector.broadcast %broadcast_in_dim3A_359 : vector<512x1xf32> to vector<512x128xf32>
      %eq3A_361 = arith.cmpf oeq, %get3A_93, %eq3A_360 : vector<512x128xf32>
      %jit3A_362 = arith.constant 3.000000e+38 : f32
      %broadcast_in_dim3A_363 = vector.broadcast %jit3A_362 : f32 to vector<512x128xf32>
      %select_n3A_364 = arith.select %eq3A_361, %broadcast_in_dim3A_363, %select_n3A_336 : vector<512x128xi1>, vector<512x128xf32>
      %eq3A_365 = arith.constant 9.000000e+00 : f32
      %eq3A_366 = vector.broadcast %eq3A_365 : f32 to vector<512x128xf32>
      %eq3A_367 = arith.cmpf oeq, %convert_element_type3A_23, %eq3A_366 : vector<512x128xf32>
      %broadcast_in_dim3A_368 = vector.shape_cast %broadcast_in_dim3A_351 : vector<512x1xf32> to vector<512x1xf32>
      %broadcast_in_dim3A_369 = vector.broadcast %broadcast_in_dim3A_368 : vector<512x1xf32> to vector<512x128xf32>
      %select_n3A_370 = arith.select %eq3A_367, %broadcast_in_dim3A_369, %select_n3A_342 : vector<512x128xi1>, vector<512x128xf32>
      %eq3A_371 = arith.constant 9.000000e+00 : f32
      %eq3A_372 = vector.broadcast %eq3A_371 : f32 to vector<512x128xf32>
      %eq3A_373 = arith.cmpf oeq, %convert_element_type3A_23, %eq3A_372 : vector<512x128xf32>
      %broadcast_in_dim3A_374 = vector.shape_cast %broadcast_in_dim3A_359 : vector<512x1xf32> to vector<512x1xf32>
      %broadcast_in_dim3A_375 = vector.broadcast %broadcast_in_dim3A_374 : vector<512x1xf32> to vector<512x128xf32>
      %select_n3A_376 = arith.select %eq3A_373, %broadcast_in_dim3A_375, %select_n3A_348 : vector<512x128xi1>, vector<512x128xf32>
      %reduce_min3A_377 = arith.constant dense<0x7F800000> : vector<512xf32>
      %reduce_min3A_378 = vector.multi_reduction <minimumf>, %select_n3A_364, %reduce_min3A_377 [1] : vector<512x128xf32> to vector<512xf32>
      %broadcast_in_dim3A_379 = vector.shape_cast %reduce_min3A_378 : vector<512xf32> to vector<512x1xf32>
      %eq3A_380 = vector.broadcast %broadcast_in_dim3A_379 : vector<512x1xf32> to vector<512x128xf32>
      %eq3A_381 = arith.cmpf oeq, %select_n3A_364, %eq3A_380 : vector<512x128xf32>
      %jit3A_382 = arith.constant 1.000000e+09 : f32
      %broadcast_in_dim3A_383 = vector.broadcast %jit3A_382 : f32 to vector<512x128xf32>
      %select_n3A_384 = arith.select %eq3A_381, %get3A_93, %broadcast_in_dim3A_383 : vector<512x128xi1>, vector<512x128xf32>
      %reduce_min3A_385 = arith.constant dense<0x7F800000> : vector<512xf32>
      %reduce_min3A_386 = vector.multi_reduction <minimumf>, %select_n3A_384, %reduce_min3A_385 [1] : vector<512x128xf32> to vector<512xf32>
      %broadcast_in_dim3A_387 = vector.shape_cast %reduce_min3A_386 : vector<512xf32> to vector<512x1xf32>
      %eq3A_388 = vector.broadcast %broadcast_in_dim3A_387 : vector<512x1xf32> to vector<512x128xf32>
      %eq3A_389 = arith.cmpf oeq, %get3A_93, %eq3A_388 : vector<512x128xf32>
      %jit3A_390 = arith.constant 3.000000e+38 : f32
      %broadcast_in_dim3A_391 = vector.broadcast %jit3A_390 : f32 to vector<512x128xf32>
      %select_n3A_392 = arith.select %eq3A_389, %broadcast_in_dim3A_391, %select_n3A_364 : vector<512x128xi1>, vector<512x128xf32>
      %eq3A_393 = arith.constant 1.000000e+01 : f32
      %eq3A_394 = vector.broadcast %eq3A_393 : f32 to vector<512x128xf32>
      %eq3A_395 = arith.cmpf oeq, %convert_element_type3A_23, %eq3A_394 : vector<512x128xf32>
      %broadcast_in_dim3A_396 = vector.shape_cast %broadcast_in_dim3A_379 : vector<512x1xf32> to vector<512x1xf32>
      %broadcast_in_dim3A_397 = vector.broadcast %broadcast_in_dim3A_396 : vector<512x1xf32> to vector<512x128xf32>
      %select_n3A_398 = arith.select %eq3A_395, %broadcast_in_dim3A_397, %select_n3A_370 : vector<512x128xi1>, vector<512x128xf32>
      %eq3A_399 = arith.constant 1.000000e+01 : f32
      %eq3A_400 = vector.broadcast %eq3A_399 : f32 to vector<512x128xf32>
      %eq3A_401 = arith.cmpf oeq, %convert_element_type3A_23, %eq3A_400 : vector<512x128xf32>
      %broadcast_in_dim3A_402 = vector.shape_cast %broadcast_in_dim3A_387 : vector<512x1xf32> to vector<512x1xf32>
      %broadcast_in_dim3A_403 = vector.broadcast %broadcast_in_dim3A_402 : vector<512x1xf32> to vector<512x128xf32>
      %select_n3A_404 = arith.select %eq3A_401, %broadcast_in_dim3A_403, %select_n3A_376 : vector<512x128xi1>, vector<512x128xf32>
      %reduce_min3A_405 = arith.constant dense<0x7F800000> : vector<512xf32>
      %reduce_min3A_406 = vector.multi_reduction <minimumf>, %select_n3A_392, %reduce_min3A_405 [1] : vector<512x128xf32> to vector<512xf32>
      %broadcast_in_dim3A_407 = vector.shape_cast %reduce_min3A_406 : vector<512xf32> to vector<512x1xf32>
      %eq3A_408 = vector.broadcast %broadcast_in_dim3A_407 : vector<512x1xf32> to vector<512x128xf32>
      %eq3A_409 = arith.cmpf oeq, %select_n3A_392, %eq3A_408 : vector<512x128xf32>
      %jit3A_410 = arith.constant 1.000000e+09 : f32
      %broadcast_in_dim3A_411 = vector.broadcast %jit3A_410 : f32 to vector<512x128xf32>
      %select_n3A_412 = arith.select %eq3A_409, %get3A_93, %broadcast_in_dim3A_411 : vector<512x128xi1>, vector<512x128xf32>
      %reduce_min3A_413 = arith.constant dense<0x7F800000> : vector<512xf32>
      %reduce_min3A_414 = vector.multi_reduction <minimumf>, %select_n3A_412, %reduce_min3A_413 [1] : vector<512x128xf32> to vector<512xf32>
      %broadcast_in_dim3A_415 = vector.shape_cast %reduce_min3A_414 : vector<512xf32> to vector<512x1xf32>
      %eq3A_416 = vector.broadcast %broadcast_in_dim3A_415 : vector<512x1xf32> to vector<512x128xf32>
      %eq3A_417 = arith.cmpf oeq, %get3A_93, %eq3A_416 : vector<512x128xf32>
      %jit3A_418 = arith.constant 3.000000e+38 : f32
      %broadcast_in_dim3A_419 = vector.broadcast %jit3A_418 : f32 to vector<512x128xf32>
      %select_n3A_420 = arith.select %eq3A_417, %broadcast_in_dim3A_419, %select_n3A_392 : vector<512x128xi1>, vector<512x128xf32>
      %eq3A_421 = arith.constant 1.100000e+01 : f32
      %eq3A_422 = vector.broadcast %eq3A_421 : f32 to vector<512x128xf32>
      %eq3A_423 = arith.cmpf oeq, %convert_element_type3A_23, %eq3A_422 : vector<512x128xf32>
      %broadcast_in_dim3A_424 = vector.shape_cast %broadcast_in_dim3A_407 : vector<512x1xf32> to vector<512x1xf32>
      %broadcast_in_dim3A_425 = vector.broadcast %broadcast_in_dim3A_424 : vector<512x1xf32> to vector<512x128xf32>
      %select_n3A_426 = arith.select %eq3A_423, %broadcast_in_dim3A_425, %select_n3A_398 : vector<512x128xi1>, vector<512x128xf32>
      %eq3A_427 = arith.constant 1.100000e+01 : f32
      %eq3A_428 = vector.broadcast %eq3A_427 : f32 to vector<512x128xf32>
      %eq3A_429 = arith.cmpf oeq, %convert_element_type3A_23, %eq3A_428 : vector<512x128xf32>
      %broadcast_in_dim3A_430 = vector.shape_cast %broadcast_in_dim3A_415 : vector<512x1xf32> to vector<512x1xf32>
      %broadcast_in_dim3A_431 = vector.broadcast %broadcast_in_dim3A_430 : vector<512x1xf32> to vector<512x128xf32>
      %select_n3A_432 = arith.select %eq3A_429, %broadcast_in_dim3A_431, %select_n3A_404 : vector<512x128xi1>, vector<512x128xf32>
      %reduce_min3A_433 = arith.constant dense<0x7F800000> : vector<512xf32>
      %reduce_min3A_434 = vector.multi_reduction <minimumf>, %select_n3A_420, %reduce_min3A_433 [1] : vector<512x128xf32> to vector<512xf32>
      %broadcast_in_dim3A_435 = vector.shape_cast %reduce_min3A_434 : vector<512xf32> to vector<512x1xf32>
      %eq3A_436 = vector.broadcast %broadcast_in_dim3A_435 : vector<512x1xf32> to vector<512x128xf32>
      %eq3A_437 = arith.cmpf oeq, %select_n3A_420, %eq3A_436 : vector<512x128xf32>
      %jit3A_438 = arith.constant 1.000000e+09 : f32
      %broadcast_in_dim3A_439 = vector.broadcast %jit3A_438 : f32 to vector<512x128xf32>
      %select_n3A_440 = arith.select %eq3A_437, %get3A_93, %broadcast_in_dim3A_439 : vector<512x128xi1>, vector<512x128xf32>
      %reduce_min3A_441 = arith.constant dense<0x7F800000> : vector<512xf32>
      %reduce_min3A_442 = vector.multi_reduction <minimumf>, %select_n3A_440, %reduce_min3A_441 [1] : vector<512x128xf32> to vector<512xf32>
      %broadcast_in_dim3A_443 = vector.shape_cast %reduce_min3A_442 : vector<512xf32> to vector<512x1xf32>
      %eq3A_444 = vector.broadcast %broadcast_in_dim3A_443 : vector<512x1xf32> to vector<512x128xf32>
      %eq3A_445 = arith.cmpf oeq, %get3A_93, %eq3A_444 : vector<512x128xf32>
      %jit3A_446 = arith.constant 3.000000e+38 : f32
      %broadcast_in_dim3A_447 = vector.broadcast %jit3A_446 : f32 to vector<512x128xf32>
      %select_n3A_448 = arith.select %eq3A_445, %broadcast_in_dim3A_447, %select_n3A_420 : vector<512x128xi1>, vector<512x128xf32>
      %eq3A_449 = arith.constant 1.200000e+01 : f32
      %eq3A_450 = vector.broadcast %eq3A_449 : f32 to vector<512x128xf32>
      %eq3A_451 = arith.cmpf oeq, %convert_element_type3A_23, %eq3A_450 : vector<512x128xf32>
      %broadcast_in_dim3A_452 = vector.shape_cast %broadcast_in_dim3A_435 : vector<512x1xf32> to vector<512x1xf32>
      %broadcast_in_dim3A_453 = vector.broadcast %broadcast_in_dim3A_452 : vector<512x1xf32> to vector<512x128xf32>
      %select_n3A_454 = arith.select %eq3A_451, %broadcast_in_dim3A_453, %select_n3A_426 : vector<512x128xi1>, vector<512x128xf32>
      %eq3A_455 = arith.constant 1.200000e+01 : f32
      %eq3A_456 = vector.broadcast %eq3A_455 : f32 to vector<512x128xf32>
      %eq3A_457 = arith.cmpf oeq, %convert_element_type3A_23, %eq3A_456 : vector<512x128xf32>
      %broadcast_in_dim3A_458 = vector.shape_cast %broadcast_in_dim3A_443 : vector<512x1xf32> to vector<512x1xf32>
      %broadcast_in_dim3A_459 = vector.broadcast %broadcast_in_dim3A_458 : vector<512x1xf32> to vector<512x128xf32>
      %select_n3A_460 = arith.select %eq3A_457, %broadcast_in_dim3A_459, %select_n3A_432 : vector<512x128xi1>, vector<512x128xf32>
      %reduce_min3A_461 = arith.constant dense<0x7F800000> : vector<512xf32>
      %reduce_min3A_462 = vector.multi_reduction <minimumf>, %select_n3A_448, %reduce_min3A_461 [1] : vector<512x128xf32> to vector<512xf32>
      %broadcast_in_dim3A_463 = vector.shape_cast %reduce_min3A_462 : vector<512xf32> to vector<512x1xf32>
      %eq3A_464 = vector.broadcast %broadcast_in_dim3A_463 : vector<512x1xf32> to vector<512x128xf32>
      %eq3A_465 = arith.cmpf oeq, %select_n3A_448, %eq3A_464 : vector<512x128xf32>
      %jit3A_466 = arith.constant 1.000000e+09 : f32
      %broadcast_in_dim3A_467 = vector.broadcast %jit3A_466 : f32 to vector<512x128xf32>
      %select_n3A_468 = arith.select %eq3A_465, %get3A_93, %broadcast_in_dim3A_467 : vector<512x128xi1>, vector<512x128xf32>
      %reduce_min3A_469 = arith.constant dense<0x7F800000> : vector<512xf32>
      %reduce_min3A_470 = vector.multi_reduction <minimumf>, %select_n3A_468, %reduce_min3A_469 [1] : vector<512x128xf32> to vector<512xf32>
      %broadcast_in_dim3A_471 = vector.shape_cast %reduce_min3A_470 : vector<512xf32> to vector<512x1xf32>
      %eq3A_472 = vector.broadcast %broadcast_in_dim3A_471 : vector<512x1xf32> to vector<512x128xf32>
      %eq3A_473 = arith.cmpf oeq, %get3A_93, %eq3A_472 : vector<512x128xf32>
      %jit3A_474 = arith.constant 3.000000e+38 : f32
      %broadcast_in_dim3A_475 = vector.broadcast %jit3A_474 : f32 to vector<512x128xf32>
      %select_n3A_476 = arith.select %eq3A_473, %broadcast_in_dim3A_475, %select_n3A_448 : vector<512x128xi1>, vector<512x128xf32>
      %eq3A_477 = arith.constant 1.300000e+01 : f32
      %eq3A_478 = vector.broadcast %eq3A_477 : f32 to vector<512x128xf32>
      %eq3A_479 = arith.cmpf oeq, %convert_element_type3A_23, %eq3A_478 : vector<512x128xf32>
      %broadcast_in_dim3A_480 = vector.shape_cast %broadcast_in_dim3A_463 : vector<512x1xf32> to vector<512x1xf32>
      %broadcast_in_dim3A_481 = vector.broadcast %broadcast_in_dim3A_480 : vector<512x1xf32> to vector<512x128xf32>
      %select_n3A_482 = arith.select %eq3A_479, %broadcast_in_dim3A_481, %select_n3A_454 : vector<512x128xi1>, vector<512x128xf32>
      %eq3A_483 = arith.constant 1.300000e+01 : f32
      %eq3A_484 = vector.broadcast %eq3A_483 : f32 to vector<512x128xf32>
      %eq3A_485 = arith.cmpf oeq, %convert_element_type3A_23, %eq3A_484 : vector<512x128xf32>
      %broadcast_in_dim3A_486 = vector.shape_cast %broadcast_in_dim3A_471 : vector<512x1xf32> to vector<512x1xf32>
      %broadcast_in_dim3A_487 = vector.broadcast %broadcast_in_dim3A_486 : vector<512x1xf32> to vector<512x128xf32>
      %select_n3A_488 = arith.select %eq3A_485, %broadcast_in_dim3A_487, %select_n3A_460 : vector<512x128xi1>, vector<512x128xf32>
      %reduce_min3A_489 = arith.constant dense<0x7F800000> : vector<512xf32>
      %reduce_min3A_490 = vector.multi_reduction <minimumf>, %select_n3A_476, %reduce_min3A_489 [1] : vector<512x128xf32> to vector<512xf32>
      %broadcast_in_dim3A_491 = vector.shape_cast %reduce_min3A_490 : vector<512xf32> to vector<512x1xf32>
      %eq3A_492 = vector.broadcast %broadcast_in_dim3A_491 : vector<512x1xf32> to vector<512x128xf32>
      %eq3A_493 = arith.cmpf oeq, %select_n3A_476, %eq3A_492 : vector<512x128xf32>
      %jit3A_494 = arith.constant 1.000000e+09 : f32
      %broadcast_in_dim3A_495 = vector.broadcast %jit3A_494 : f32 to vector<512x128xf32>
      %select_n3A_496 = arith.select %eq3A_493, %get3A_93, %broadcast_in_dim3A_495 : vector<512x128xi1>, vector<512x128xf32>
      %reduce_min3A_497 = arith.constant dense<0x7F800000> : vector<512xf32>
      %reduce_min3A_498 = vector.multi_reduction <minimumf>, %select_n3A_496, %reduce_min3A_497 [1] : vector<512x128xf32> to vector<512xf32>
      %broadcast_in_dim3A_499 = vector.shape_cast %reduce_min3A_498 : vector<512xf32> to vector<512x1xf32>
      %eq3A_500 = vector.broadcast %broadcast_in_dim3A_499 : vector<512x1xf32> to vector<512x128xf32>
      %eq3A_501 = arith.cmpf oeq, %get3A_93, %eq3A_500 : vector<512x128xf32>
      %jit3A_502 = arith.constant 3.000000e+38 : f32
      %broadcast_in_dim3A_503 = vector.broadcast %jit3A_502 : f32 to vector<512x128xf32>
      %select_n3A_504 = arith.select %eq3A_501, %broadcast_in_dim3A_503, %select_n3A_476 : vector<512x128xi1>, vector<512x128xf32>
      %eq3A_505 = arith.constant 1.400000e+01 : f32
      %eq3A_506 = vector.broadcast %eq3A_505 : f32 to vector<512x128xf32>
      %eq3A_507 = arith.cmpf oeq, %convert_element_type3A_23, %eq3A_506 : vector<512x128xf32>
      %broadcast_in_dim3A_508 = vector.shape_cast %broadcast_in_dim3A_491 : vector<512x1xf32> to vector<512x1xf32>
      %broadcast_in_dim3A_509 = vector.broadcast %broadcast_in_dim3A_508 : vector<512x1xf32> to vector<512x128xf32>
      %select_n3A_510 = arith.select %eq3A_507, %broadcast_in_dim3A_509, %select_n3A_482 : vector<512x128xi1>, vector<512x128xf32>
      %eq3A_511 = arith.constant 1.400000e+01 : f32
      %eq3A_512 = vector.broadcast %eq3A_511 : f32 to vector<512x128xf32>
      %eq3A_513 = arith.cmpf oeq, %convert_element_type3A_23, %eq3A_512 : vector<512x128xf32>
      %broadcast_in_dim3A_514 = vector.shape_cast %broadcast_in_dim3A_499 : vector<512x1xf32> to vector<512x1xf32>
      %broadcast_in_dim3A_515 = vector.broadcast %broadcast_in_dim3A_514 : vector<512x1xf32> to vector<512x128xf32>
      %select_n3A_516 = arith.select %eq3A_513, %broadcast_in_dim3A_515, %select_n3A_488 : vector<512x128xi1>, vector<512x128xf32>
      %reduce_min3A_517 = arith.constant dense<0x7F800000> : vector<512xf32>
      %reduce_min3A_518 = vector.multi_reduction <minimumf>, %select_n3A_504, %reduce_min3A_517 [1] : vector<512x128xf32> to vector<512xf32>
      %broadcast_in_dim3A_519 = vector.shape_cast %reduce_min3A_518 : vector<512xf32> to vector<512x1xf32>
      %eq3A_520 = vector.broadcast %broadcast_in_dim3A_519 : vector<512x1xf32> to vector<512x128xf32>
      %eq3A_521 = arith.cmpf oeq, %select_n3A_504, %eq3A_520 : vector<512x128xf32>
      %jit3A_522 = arith.constant 1.000000e+09 : f32
      %broadcast_in_dim3A_523 = vector.broadcast %jit3A_522 : f32 to vector<512x128xf32>
      %select_n3A_524 = arith.select %eq3A_521, %get3A_93, %broadcast_in_dim3A_523 : vector<512x128xi1>, vector<512x128xf32>
      %reduce_min3A_525 = arith.constant dense<0x7F800000> : vector<512xf32>
      %reduce_min3A_526 = vector.multi_reduction <minimumf>, %select_n3A_524, %reduce_min3A_525 [1] : vector<512x128xf32> to vector<512xf32>
      %broadcast_in_dim3A_527 = vector.shape_cast %reduce_min3A_526 : vector<512xf32> to vector<512x1xf32>
      %eq3A_528 = arith.constant 1.500000e+01 : f32
      %eq3A_529 = vector.broadcast %eq3A_528 : f32 to vector<512x128xf32>
      %eq3A_530 = arith.cmpf oeq, %convert_element_type3A_23, %eq3A_529 : vector<512x128xf32>
      %broadcast_in_dim3A_531 = vector.shape_cast %broadcast_in_dim3A_519 : vector<512x1xf32> to vector<512x1xf32>
      %broadcast_in_dim3A_532 = vector.broadcast %broadcast_in_dim3A_531 : vector<512x1xf32> to vector<512x128xf32>
      %select_n3A_533 = arith.select %eq3A_530, %broadcast_in_dim3A_532, %select_n3A_510 : vector<512x128xi1>, vector<512x128xf32>
      %eq3A_534 = arith.constant 1.500000e+01 : f32
      %eq3A_535 = vector.broadcast %eq3A_534 : f32 to vector<512x128xf32>
      %eq3A_536 = arith.cmpf oeq, %convert_element_type3A_23, %eq3A_535 : vector<512x128xf32>
      %broadcast_in_dim3A_537 = vector.shape_cast %broadcast_in_dim3A_527 : vector<512x1xf32> to vector<512x1xf32>
      %broadcast_in_dim3A_538 = vector.broadcast %broadcast_in_dim3A_537 : vector<512x1xf32> to vector<512x128xf32>
      %select_n3A_539 = arith.select %eq3A_536, %broadcast_in_dim3A_538, %select_n3A_516 : vector<512x128xi1>, vector<512x128xf32>
      %swap3A_540 = arith.constant 0 : index
      %swap3A_541 = arith.constant 0 : index
      %swap3A_542 = vector.load %arg6[%swap3A_540, %swap3A_541] : memref<512x128xf32, #tpu.memory_space<vmem>>, vector<512x128xf32>
      tpu.vector_store %arg6[%swap3A_540, %swap3A_541], %select_n3A_533 {strides = array<i32>} : memref<512x128xf32, #tpu.memory_space<vmem>>, vector<512x128xf32>,
      %convert_element_type3A_543 = arith.fptosi %select_n3A_539 : vector<512x128xf32> to vector<512x128xi32>
      %swap3A_544 = arith.constant 0 : index
      %swap3A_545 = arith.constant 0 : index
      %swap3A_546 = vector.load %arg7[%swap3A_544, %swap3A_545] : memref<512x128xi32, #tpu.memory_space<vmem>>, vector<512x128xi32>
      tpu.vector_store %arg7[%swap3A_544, %swap3A_545], %convert_element_type3A_543 {strides = array<i32>} : memref<512x128xi32, #tpu.memory_space<vmem>>, vector<512x128xi32>,
    } else {
    }
    return
  }
  func.func @transform_0(%arg0: i32, %arg1: i32) -> (i32, i32) {
    %c0_i32 = arith.constant 0 : i32
    %c0_i32_0 = arith.constant 0 : i32
    return %arg0, %c0_i32 : i32, i32
  }
  func.func @transform_1(%arg0: i32, %arg1: i32) -> (i32, i32) {
    %c0_i32 = arith.constant 0 : i32
    %c0_i32_0 = arith.constant 0 : i32
    return %arg0, %c0_i32 : i32, i32
  }
  func.func @transform_2(%arg0: i32, %arg1: i32) -> (i32, i32) {
    %c0_i32 = arith.constant 0 : i32
    %c0_i32_0 = arith.constant 0 : i32
    return %arg1, %c0_i32 : i32, i32
  }
  func.func @transform_3(%arg0: i32, %arg1: i32) -> (i32, i32, i32) {
    %c0_i32 = arith.constant 0 : i32
    %c0_i32_0 = arith.constant 0 : i32
    %c0_i32_1 = arith.constant 0 : i32
    return %arg1, %c0_i32, %c0_i32_0 : i32, i32, i32
  }
  func.func @transform_4(%arg0: i32, %arg1: i32) -> (i32, i32) {
    %c0_i32 = arith.constant 0 : i32
    %c0_i32_0 = arith.constant 0 : i32
    return %arg0, %c0_i32 : i32, i32
  }
  func.func @transform_5(%arg0: i32, %arg1: i32) -> (i32, i32) {
    %c0_i32 = arith.constant 0 : i32
    %c0_i32_0 = arith.constant 0 : i32
    return %arg0, %c0_i32 : i32, i32
  }
}

module attributes {stable_mosaic.version = 14 : i64} {
  func.func @_dec_body(%arg0: i32, %arg1: memref<2048x128xf32, #tpu.memory_space<vmem>>, %arg2: memref<128x128xf32, #tpu.memory_space<vmem>>, %arg3: memref<1x128xf32, #tpu.memory_space<vmem>>, %arg4: memref<128x128xf32, #tpu.memory_space<vmem>>, %arg5: memref<1x128xf32, #tpu.memory_space<vmem>>, %arg6: memref<128x128xf32, #tpu.memory_space<vmem>>, %arg7: memref<1x128xf32, #tpu.memory_space<vmem>>, %arg8: memref<128x128xf32, #tpu.memory_space<vmem>>, %arg9: memref<1x128xf32, #tpu.memory_space<vmem>>, %arg10: memref<128x128xf32, #tpu.memory_space<vmem>>, %arg11: memref<1x128xf32, #tpu.memory_space<vmem>>, %arg12: memref<2048x128xf32, #tpu.memory_space<vmem>>, %arg13: memref<2048x128xf32, #tpu.memory_space<vmem>>) attributes {dimension_semantics = [#tpu.dimension_semantics<arbitrary>], iteration_bounds = array<i64: 8>, scalar_prefetch = 0 : i64, scratch_operands = 0 : i64, tpu.core_type = #tpu.core_type<tc>, window_params = [{transform_indices = @transform_0, window_bounds = array<i64: 2048, 128>}, {pipeline_mode = #tpu.pipeline_mode<synchronous>, transform_indices = @transform_1, window_bounds = array<i64: 128, 128>}, {pipeline_mode = #tpu.pipeline_mode<synchronous>, transform_indices = @transform_2, window_bounds = array<i64: 1, 128>}, {pipeline_mode = #tpu.pipeline_mode<synchronous>, transform_indices = @transform_3, window_bounds = array<i64: 128, 128>}, {pipeline_mode = #tpu.pipeline_mode<synchronous>, transform_indices = @transform_4, window_bounds = array<i64: 1, 128>}, {pipeline_mode = #tpu.pipeline_mode<synchronous>, transform_indices = @transform_5, window_bounds = array<i64: 128, 128>}, {pipeline_mode = #tpu.pipeline_mode<synchronous>, transform_indices = @transform_6, window_bounds = array<i64: 1, 128>}, {pipeline_mode = #tpu.pipeline_mode<synchronous>, transform_indices = @transform_7, window_bounds = array<i64: 128, 128>}, {pipeline_mode = #tpu.pipeline_mode<synchronous>, transform_indices = @transform_8, window_bounds = array<i64: 1, 128>}, {pipeline_mode = #tpu.pipeline_mode<synchronous>, transform_indices = @transform_9, window_bounds = array<i64: 128, 128>}, {pipeline_mode = #tpu.pipeline_mode<synchronous>, transform_indices = @transform_10, window_bounds = array<i64: 1, 128>}, {transform_indices = @transform_11, window_bounds = array<i64: 2048, 128>}, {transform_indices = @transform_12, window_bounds = array<i64: 2048, 128>}]} {
    %get3A = arith.constant 0 : index
    %get3A_0 = arith.constant 0 : index
    %get3A_1 = vector.load %arg1[%get3A, %get3A_0] : memref<2048x128xf32, #tpu.memory_space<vmem>>, vector<2048x128xf32>
    %get3A_2 = arith.constant 0 : index
    %get3A_3 = arith.constant 0 : index
    %get3A_4 = vector.load %arg2[%get3A_2, %get3A_3] : memref<128x128xf32, #tpu.memory_space<vmem>>, vector<128x128xf32>
    %dot_general3A = arith.constant dense<0.000000e+00> : vector<2048x128xf32>
    %dot_general3A_5 = tpu.matmul %get3A_1, %get3A_4, %dot_general3A {dimension_numbers = #tpu.dot_dimension_numbers<[1], [0], [0], [1], [0, 0, 1, 1], [], []>, transpose_lhs_hint = false} : vector<2048x128xf32>, vector<128x128xf32>, vector<2048x128xf32> -> vector<2048x128xf32>
    %get3A_6 = arith.constant 0 : index
    %get3A_7 = arith.constant 0 : index
    %get3A_8 = vector.load %arg3[%get3A_6, %get3A_7] : memref<1x128xf32, #tpu.memory_space<vmem>>, vector<1x128xf32>
    %add3A = vector.broadcast %get3A_8 : vector<1x128xf32> to vector<2048x128xf32>
    %add3A_9 = arith.addf %dot_general3A_5, %add3A : vector<2048x128xf32>
    %max3A = arith.constant 0.000000e+00 : f32
    %max3A_10 = vector.broadcast %max3A : f32 to vector<2048x128xf32>
    %max3A_11 = arith.maximumf %add3A_9, %max3A_10 : vector<2048x128xf32>
    %get3A_12 = arith.constant 0 : index
    %get3A_13 = arith.constant 0 : index
    %get3A_14 = vector.load %arg4[%get3A_12, %get3A_13] : memref<128x128xf32, #tpu.memory_space<vmem>>, vector<128x128xf32>
    %dot_general3A_15 = arith.constant dense<0.000000e+00> : vector<2048x128xf32>
    %dot_general3A_16 = tpu.matmul %max3A_11, %get3A_14, %dot_general3A_15 {dimension_numbers = #tpu.dot_dimension_numbers<[1], [0], [0], [1], [0, 0, 1, 1], [], []>, transpose_lhs_hint = false} : vector<2048x128xf32>, vector<128x128xf32>, vector<2048x128xf32> -> vector<2048x128xf32>
    %get3A_17 = arith.constant 0 : index
    %get3A_18 = arith.constant 0 : index
    %get3A_19 = vector.load %arg5[%get3A_17, %get3A_18] : memref<1x128xf32, #tpu.memory_space<vmem>>, vector<1x128xf32>
    %add3A_20 = vector.broadcast %get3A_19 : vector<1x128xf32> to vector<2048x128xf32>
    %add3A_21 = arith.addf %dot_general3A_16, %add3A_20 : vector<2048x128xf32>
    %max3A_22 = arith.constant 0.000000e+00 : f32
    %max3A_23 = vector.broadcast %max3A_22 : f32 to vector<2048x128xf32>
    %max3A_24 = arith.maximumf %add3A_21, %max3A_23 : vector<2048x128xf32>
    %get3A_25 = arith.constant 0 : index
    %get3A_26 = arith.constant 0 : index
    %get3A_27 = vector.load %arg6[%get3A_25, %get3A_26] : memref<128x128xf32, #tpu.memory_space<vmem>>, vector<128x128xf32>
    %dot_general3A_28 = arith.constant dense<0.000000e+00> : vector<2048x128xf32>
    %dot_general3A_29 = tpu.matmul %max3A_24, %get3A_27, %dot_general3A_28 {dimension_numbers = #tpu.dot_dimension_numbers<[1], [0], [0], [1], [0, 0, 1, 1], [], []>, transpose_lhs_hint = false} : vector<2048x128xf32>, vector<128x128xf32>, vector<2048x128xf32> -> vector<2048x128xf32>
    %get3A_30 = arith.constant 0 : index
    %get3A_31 = arith.constant 0 : index
    %get3A_32 = vector.load %arg7[%get3A_30, %get3A_31] : memref<1x128xf32, #tpu.memory_space<vmem>>, vector<1x128xf32>
    %add3A_33 = vector.broadcast %get3A_32 : vector<1x128xf32> to vector<2048x128xf32>
    %add3A_34 = arith.addf %dot_general3A_29, %add3A_33 : vector<2048x128xf32>
    %swap3A = arith.constant 0 : index
    %swap3A_35 = arith.constant 0 : index
    %swap3A_36 = vector.load %arg12[%swap3A, %swap3A_35] : memref<2048x128xf32, #tpu.memory_space<vmem>>, vector<2048x128xf32>
    tpu.vector_store %arg12[%swap3A, %swap3A_35], %add3A_34 {strides = array<i32>} : memref<2048x128xf32, #tpu.memory_space<vmem>>, vector<2048x128xf32>,
    %get3A_37 = arith.constant 0 : index
    %get3A_38 = arith.constant 0 : index
    %get3A_39 = vector.load %arg8[%get3A_37, %get3A_38] : memref<128x128xf32, #tpu.memory_space<vmem>>, vector<128x128xf32>
    %dot_general3A_40 = arith.constant dense<0.000000e+00> : vector<2048x128xf32>
    %dot_general3A_41 = tpu.matmul %get3A_1, %get3A_39, %dot_general3A_40 {dimension_numbers = #tpu.dot_dimension_numbers<[1], [0], [0], [1], [0, 0, 1, 1], [], []>, transpose_lhs_hint = false} : vector<2048x128xf32>, vector<128x128xf32>, vector<2048x128xf32> -> vector<2048x128xf32>
    %get3A_42 = arith.constant 0 : index
    %get3A_43 = arith.constant 0 : index
    %get3A_44 = vector.load %arg9[%get3A_42, %get3A_43] : memref<1x128xf32, #tpu.memory_space<vmem>>, vector<1x128xf32>
    %add3A_45 = vector.broadcast %get3A_44 : vector<1x128xf32> to vector<2048x128xf32>
    %add3A_46 = arith.addf %dot_general3A_41, %add3A_45 : vector<2048x128xf32>
    %max3A_47 = arith.constant 0.000000e+00 : f32
    %max3A_48 = vector.broadcast %max3A_47 : f32 to vector<2048x128xf32>
    %max3A_49 = arith.maximumf %add3A_46, %max3A_48 : vector<2048x128xf32>
    %get3A_50 = arith.constant 0 : index
    %get3A_51 = arith.constant 0 : index
    %get3A_52 = vector.load %arg10[%get3A_50, %get3A_51] : memref<128x128xf32, #tpu.memory_space<vmem>>, vector<128x128xf32>
    %dot_general3A_53 = arith.constant dense<0.000000e+00> : vector<2048x128xf32>
    %dot_general3A_54 = tpu.matmul %max3A_49, %get3A_52, %dot_general3A_53 {dimension_numbers = #tpu.dot_dimension_numbers<[1], [0], [0], [1], [0, 0, 1, 1], [], []>, transpose_lhs_hint = false} : vector<2048x128xf32>, vector<128x128xf32>, vector<2048x128xf32> -> vector<2048x128xf32>
    %get3A_55 = arith.constant 0 : index
    %get3A_56 = arith.constant 0 : index
    %get3A_57 = vector.load %arg11[%get3A_55, %get3A_56] : memref<1x128xf32, #tpu.memory_space<vmem>>, vector<1x128xf32>
    %add3A_58 = vector.broadcast %get3A_57 : vector<1x128xf32> to vector<2048x128xf32>
    %add3A_59 = arith.addf %dot_general3A_54, %add3A_58 : vector<2048x128xf32>
    %swap3A_60 = arith.constant 0 : index
    %swap3A_61 = arith.constant 0 : index
    %swap3A_62 = vector.load %arg13[%swap3A_60, %swap3A_61] : memref<2048x128xf32, #tpu.memory_space<vmem>>, vector<2048x128xf32>
    tpu.vector_store %arg13[%swap3A_60, %swap3A_61], %add3A_59 {strides = array<i32>} : memref<2048x128xf32, #tpu.memory_space<vmem>>, vector<2048x128xf32>,
    return
  }
  func.func @transform_0(%arg0: i32) -> (i32, i32) {
    %c0_i32 = arith.constant 0 : i32
    %c0_i32_0 = arith.constant 0 : i32
    return %arg0, %c0_i32 : i32, i32
  }
  func.func @transform_1(%arg0: i32) -> (i32, i32) {
    %c0_i32 = arith.constant 0 : i32
    %c0_i32_0 = arith.constant 0 : i32
    %c0_i32_1 = arith.constant 0 : i32
    return %c0_i32, %c0_i32_0 : i32, i32
  }
  func.func @transform_2(%arg0: i32) -> (i32, i32) {
    %c0_i32 = arith.constant 0 : i32
    %c0_i32_0 = arith.constant 0 : i32
    %c0_i32_1 = arith.constant 0 : i32
    return %c0_i32, %c0_i32_0 : i32, i32
  }
  func.func @transform_3(%arg0: i32) -> (i32, i32) {
    %c0_i32 = arith.constant 0 : i32
    %c0_i32_0 = arith.constant 0 : i32
    %c0_i32_1 = arith.constant 0 : i32
    return %c0_i32, %c0_i32_0 : i32, i32
  }
  func.func @transform_4(%arg0: i32) -> (i32, i32) {
    %c0_i32 = arith.constant 0 : i32
    %c0_i32_0 = arith.constant 0 : i32
    %c0_i32_1 = arith.constant 0 : i32
    return %c0_i32, %c0_i32_0 : i32, i32
  }
  func.func @transform_5(%arg0: i32) -> (i32, i32) {
    %c0_i32 = arith.constant 0 : i32
    %c0_i32_0 = arith.constant 0 : i32
    %c0_i32_1 = arith.constant 0 : i32
    return %c0_i32, %c0_i32_0 : i32, i32
  }
  func.func @transform_6(%arg0: i32) -> (i32, i32) {
    %c0_i32 = arith.constant 0 : i32
    %c0_i32_0 = arith.constant 0 : i32
    %c0_i32_1 = arith.constant 0 : i32
    return %c0_i32, %c0_i32_0 : i32, i32
  }
  func.func @transform_7(%arg0: i32) -> (i32, i32) {
    %c0_i32 = arith.constant 0 : i32
    %c0_i32_0 = arith.constant 0 : i32
    %c0_i32_1 = arith.constant 0 : i32
    return %c0_i32, %c0_i32_0 : i32, i32
  }
  func.func @transform_8(%arg0: i32) -> (i32, i32) {
    %c0_i32 = arith.constant 0 : i32
    %c0_i32_0 = arith.constant 0 : i32
    %c0_i32_1 = arith.constant 0 : i32
    return %c0_i32, %c0_i32_0 : i32, i32
  }
  func.func @transform_9(%arg0: i32) -> (i32, i32) {
    %c0_i32 = arith.constant 0 : i32
    %c0_i32_0 = arith.constant 0 : i32
    %c0_i32_1 = arith.constant 0 : i32
    return %c0_i32, %c0_i32_0 : i32, i32
  }
  func.func @transform_10(%arg0: i32) -> (i32, i32) {
    %c0_i32 = arith.constant 0 : i32
    %c0_i32_0 = arith.constant 0 : i32
    %c0_i32_1 = arith.constant 0 : i32
    return %c0_i32, %c0_i32_0 : i32, i32
  }
  func.func @transform_11(%arg0: i32) -> (i32, i32) {
    %c0_i32 = arith.constant 0 : i32
    %c0_i32_0 = arith.constant 0 : i32
    return %arg0, %c0_i32 : i32, i32
  }
  func.func @transform_12(%arg0: i32) -> (i32, i32) {
    %c0_i32 = arith.constant 0 : i32
    %c0_i32_0 = arith.constant 0 : i32
    return %arg0, %c0_i32 : i32, i32
  }
}

</mosaic_0001>

<sc_bundles>
// kernel: kernel.6.cloned.1.call-start
scs
__scs_entry_jumppad:
0x0: {  	(pc) =	sbr.rel $0x88, $3  }
0x1: {  	(tag) =	ssettag $0x0;
	lr =	simm.s32 $0x1  }
0x2: {  	[smem:$0x3F90] =	sst lr;
	_ =	strace $0xD0000000  }
0x3: {  	_ = 	snop  }
0x4: {  	_ = 	snop  }
0x5: {  	_ = 	snop  }
0x6: {  	_ = 	snop  }
0x7: {  	_ = 	snop  }
__scs_overlays_trampoline_lowered:
0x8: {  	[smem:$0x3F9F] =	sst s0  }
0x9: {  	[smem:$0x3FA0] =	sst s1  }
0xa: {  	[smem:$0x3FA1] =	sst s2  }
0xb: {  	[smem:$0x3FA2] =	sst s3  }
0xc: {  	[smem:$0x3FA3] =	sst s4  }
0xd: {  	[smem:$0x3FA4] =	sst s5  }
0xe: {  	[smem:$0x3FA5] =	sst s6  }
0xf: {  	[smem:$0x3FA6] =	sst s7  }
0x10: {  	[smem:$0x3FA7] =	sst s8  }
0x11: {  	[smem:$0x3FA8] =	sst s9;
	s0 =	simm.s32 @!p0 $0x0  }
0x12: {  	s1 =	sld [smem:$0x3F8E];
	s0 =	simm.s32 @p0 $0x1  }
0x13: {  	[smem:$0x3FA9] =	sst s0;
	s0 =	simm.s32 @!p1 $0x0  }
0x14: {  	s2 =	sld [smem:$0x3F8D];
	s0 =	simm.s32 @p1 $0x1  }
0x15: {  	[smem:$0x3FAA] =	sst s0;
	s0 =	simm.s32 @!p2 $0x0  }
0x16: {  	s3 =	sld [smem:$0x3FDB];
	s0 =	simm.s32 @p2 $0x1  }
0x17: {  	s4 =	simm.s32 $0x1BF5;
	[smem:$0x3FAC] =	sst s0  }
0x18: {  	s0 =	sld [smem:$0x3F8F];
	_ =	swait.ge [sflag:s4], $0x0  }
0x19: {  	s7 =	sld [smem:$0x3F90]  }
0x1a: {  	s8 =	sadd.s32 $0xFFFFE003, lr  }
0x1b: {  	s9 =	sadd.s32 $0xFFFFFEF7, lr;
	s5 =	simm.s32 $0xFFFFFFFF;
	p2 =	slt.u32 s8, $0xFFFFF086  }
0x1c: {  	p1 =	slt.u32 s9, $0xF7A;
	s5 =	simm.s32 @!p2 $0x0  }
0x1d: {  	s5 =	simm.s32 @p1 $0x1;
	p0 =	seq.s32 s7, s2  }
0x1e: {  	s7 =	smul.u32 @!p0 $0xF7A, s2;
	p2 =	seq.s32 @!p0 s5, $0x0  }
0x1f: {  	s9 =	smul.u32 $0xF7A, s1;
	s8 =	simm.s32 @!p0 $0x1BF5;
	p2 =	por !p2, p0  }
0x20: {  	[sflag:s8] =	ssyncset.s32 @!p0 $0xFFFFF086;
	s6 =	sadd.s32 @!p0 s3, s7;
	s7 =	simm.s32 @!p0 $0x108  }
0x21: {  	s3 =	sadd.s32 s3, s9;
	s6 =	sadd.s32 @!p0 $0x88, s6;
	s7 =	simm.s32 @p2 $0x1082  }
0x22: {  	[simem:s7], [sflag:s8] =	dma.local @!p0 [hbm:s6], $0xF7A  }
0x23: {  	s9 =	sor.u32 $0xD0000000, s2;
	s6 =	simm.s32 $0x108;
	_ =	swait.ge @!p0 [sflag:s8], $0x0  }
0x24: {  	s3 =	sadd.s32 $0x88, s3;
	s6 =	simm.s32 @!p1 $0x1082;
	[sflag:s4] =	ssyncset.s32 $0xFFFFF086  }
0x25: {  	[simem:s6], [sflag:s4] =	dma.local [hbm:s3], $0xF7A  }
0x26: {  	[smem:$0x3F90] =	sst s1;
	(tag) =	ssettag s2;
	_ =	strace s9  }
0x27: {  	s1 =	sld [smem:$0x3FA0]  }
0x28: {  	s2 =	sld [smem:$0x3FA1]  }
0x29: {  	s4 =	sld [smem:$0x3FA3]  }
0x2a: {  	p0 =	seq.s32 s5, $0x0;
	s5 =	sld [smem:$0x3FA4]  }
0x2b: {  	s6 =	sld [smem:$0x3FA5]  }
0x2c: {  	s7 =	sld [smem:$0x3FA6]  }
0x2d: {  	s3 =	simm.s32 $0x108;
	s8 =	sld [smem:$0x3FA7]  }
0x2e: {  	s3 =	simm.s32 @!p0 $0x1082;
	s9 =	sld [smem:$0x3FA8]  }
0x2f: {  	lr =	sadd.s32 s0, s3;
	s0 =	sld [smem:$0x3F9F]  }
0x30: {  	s3 =	sld [smem:$0x3FA2]  }
0x31: {  	[smem:$0x3FAB] =	sst s10  }
0x32: {  	s10 =	sld [smem:$0x3FA9];
	_ =	sdelay $0x3  }
0x33: {  	p0 =	seq.s32 s10, $0x1;
	s10 =	sld [smem:$0x3FAB];
	_ =	sdelay $0x3  }
0x34: {  	[smem:$0x3FAB] =	sst s10  }
0x35: {  	s10 =	sld [smem:$0x3FAA];
	_ =	sdelay $0x3  }
0x36: {  	p1 =	seq.s32 s10, $0x1;
	s10 =	sld [smem:$0x3FAB];
	_ =	sdelay $0x3  }
0x37: {  	[smem:$0x3FAB] =	sst s10  }
0x38: {  	s10 =	sld [smem:$0x3FAC]  }
0x39: {  	_ = 	snop;
	(pc) =	sbr.ind lr, $3  }
0x3a: {  	_ = 	snop  }
0x3b: {  	_ = 	snop  }
0x3c: {  	p2 =	seq.s32 s10, $0x1;
	s10 =	sld [smem:$0x3FAB]  }
0x3d: {  	_ =	shalt  }
0x3e: {  	_ =	shalt  }
0x3f: {  	_ =	shalt  }
0x40: {  	_ =	shalt  }
0x41: {  	_ =	shalt  }
0x42: {  	_ =	shalt  }
0x43: {  	_ =	shalt  }
0x44: {  	_ =	shalt  }
0x45: {  	_ =	shalt  }
0x46: {  	_ =	shalt  }
0x47: {  	_ =	shalt  }
0x48: {  	_ =	shalt  }
0x49: {  	_ =	shalt  }
0x4a: {  	_ =	shalt  }
0x4b: {  	_ =	shalt  }
0x4c: {  	_ =	shalt  }
0x4d: {  	_ =	shalt  }
0x4e: {  	_ =	shalt  }
0x4f: {  	_ =	shalt  }
0x50: {  	_ =	shalt  }
0x51: {  	_ =	shalt  }
0x52: {  	_ =	shalt  }
0x53: {  	_ =	shalt  }
0x54: {  	_ =	shalt  }
0x55: {  	_ =	shalt  }
0x56: {  	_ =	shalt  }
0x57: {  	_ =	shalt  }
0x58: {  	_ =	shalt  }
0x59: {  	_ =	shalt  }
0x5a: {  	_ =	shalt  }
0x5b: {  	_ =	shalt  }
0x5c: {  	_ =	shalt  }
0x5d: {  	_ =	shalt  }
0x5e: {  	_ =	shalt  }
0x5f: {  	_ =	shalt  }
0x60: {  	_ =	shalt  }
0x61: {  	_ =	shalt  }
0x62: {  	_ =	shalt  }
0x63: {  	_ =	shalt  }
0x64: {  	_ =	shalt  }
0x65: {  	_ =	shalt  }
0x66: {  	_ =	shalt  }
0x67: {  	_ =	shalt  }
0x68: {  	_ =	shalt  }
0x69: {  	_ =	shalt  }
0x6a: {  	_ =	shalt  }
0x6b: {  	_ =	shalt  }
0x6c: {  	_ =	shalt  }
0x6d: {  	_ =	shalt  }
0x6e: {  	_ =	shalt  }
0x6f: {  	_ =	shalt  }
0x70: {  	_ =	shalt  }
0x71: {  	_ =	shalt  }
0x72: {  	_ =	shalt  }
0x73: {  	_ =	shalt  }
0x74: {  	_ =	shalt  }
0x75: {  	_ =	shalt  }
0x76: {  	_ =	shalt  }
0x77: {  	_ =	shalt  }
0x78: {  	_ =	shalt  }
0x79: {  	_ =	shalt  }
0x7a: {  	_ =	shalt  }
0x7b: {  	_ =	shalt  }
0x7c: {  	_ =	shalt  }
0x7d: {  	_ =	shalt  }
0x7e: {  	_ =	shalt  }
0x7f: {  	_ =	shalt  }
0x80: {  	_ =	shalt  }
0x81: {  	_ =	shalt  }
0x82: {  	_ =	shalt  }
0x83: {  	_ =	shalt  }
0x84: {  	_ =	shalt  }
0x85: {  	_ =	shalt  }
0x86: {  	_ =	shalt  }
0x87: {  	_ =	shalt  }
.Lfunc_end0:
.L_simem_size_0:
called_computation_lowered:
.L_overlay_start_0:
0x88: {  	s2 =	sld [smem:$0x3FD9]  }
0x89: {  	s3 =	sld [smem:$0x3FFE];
	_ =	sdelay $0x1  }
0x8a: {  	s1 =	srdreg.scid  }
0x8b: {  	s0 =	sand.u32 $0x1, s1  }
0x8c: {  	s15 =	sshll.u32 s0, $0xA;
	s2 =	sadd.s32 s3, s2  }
0x8d: {  	s2 =	sadd.s32 s2, s15  }
0x8e: {  	[smem:$0x3FB7] =	sst s2  }
0x8f: {  	_ = 	snop  }
0x90: {  	s2 =	sld [smem:$0x3FD0];
	_ =	sdelay $0x2  }
0x91: {  	s4 =	simm.s32 $0xA;
	s5 =	simm.s32 $0x10;
	s16 =	sld [smem:$0x3FC7]  }
0x92: {  	[smem:s5], [sflag:s4] =	dma.local [hbm:s2], $0x1  }
0x93: {  	_ =	swait.eq [sflag:s4], $0x1  }
0x94: {  	[sflag:s4] =	ssyncset.done $0x0  }
0x95: {  	s17 =	sld [smem:$0x12];
	[sflag:s4] =	ssyncadd.s32 $0xFFFFFFFF  }
0x96: {  	s18 =	sld [smem:$0x13];
	(tm) =	ssettm $0x1  }
0x97: {  	s19 =	sld [smem:$0x3FFB];
	_ =	sdelay $0x3  }
0x98: {  	_ =	strace s19  }
0x99: {  	s5 =	sld [smem:$0x3FFC];
	_ =	sdelay $0x3  }
0x9a: {  	_ =	strace s5  }
0x9b: {  	s5 =	sld [smem:$0x3FFD];
	_ =	sdelay $0x3  }
0x9c: {  	_ =	strace s5  }
0x9d: {  	_ =	strace $0x8FFFFFFF  }
0x9e: {  	s20 =	sld [smem:$0x3FDB];
	_ =	sdelay $0x1  }
0x9f: {  	s6 =	simm.s32 $_scs_section_size  }
0xa0: {  	s7 =	simm.s32 $_size__tile_overlayer_lowered;
	s8 =	simm.s32 $_tile_overlayer_lowered  }
0xa1: {  	s23 =	simm.s32 $0x1BFF;
	s22 =	sshll.u32 s8, $0x1;
	s5 =	sadd.s32 s6, s20  }
0xa2: {  	s9 =	simm.s32 $0x0;
	s21 =	sshll.u32 s7, $0x1;
	s7 =	sadd.s32 s22, s5  }
0xa3: {  	[timem:s9], [sflag:s23] =	dma.local [hbm:s7], s21  }
0xa4: {  	_ =	swait.ge [sflag:s23], s21  }
0xa5: {  	s6 =	ssub.s32 $0x0, s21;
	[sflag:s23] =	ssyncset.done $0x0  }
0xa6: {  	[sflag:s23] =	ssyncadd.s32 s6;
	_ =	sdelay $0x1  }
0xa7: {  	s24 =	simm.s32 $0x1B8B  }
0xa8: {  	_ =	swait.ge [sflag:s24], $0x1  }
0xa9: {  	[sflag:s24] =	ssyncset.done $0x0  }
0xaa: {  	s25 =	simm.s32 $0x1B8E;
	[sflag:s24] =	ssyncadd.s32 $0xFFFFFFFF  }
0xab: {  	s26 =	simm.s32 $execute0_lowered;
	[smem:$0x3FD2] =	sst s25  }
0xac: {  	s6 =	sshll.u32 s26, $0x1;
	_ =	strace $0x80000046;
	[dreg:$0x1] =	wrdreg $0xFFFFFFFF  }
0xad: {  	s28 =	simm.s32 $_size_execute0_lowered;
	s5 =	sadd.s32 s5, s6;
	[dreg:$0x0] =	wrdreg $0x0  }
0xae: {  	s6 =	sshll.u32 s28, $0x1;
	[dreg:$0x2] =	wrdreg s5  }
0xaf: {  	[dreg:$0x3] =	wrdreg s6  }
0xb0: {  	[dreg:$0x4] =	wrdreg $0xC0  }
0xb1: {  	_ =	task [dreg:s9], $0x5FFFF  }
0xb2: {  	[dreg:$0x1] =	wrdreg $0xFFFFFFFF  }
0xb3: {  	[dreg:$0x0] =	wrdreg $0x60  }
0xb4: {  	[dreg:$0x2] =	wrdreg s16  }
0xb5: {  	[dreg:$0x3] =	wrdreg s18  }
0xb6: {  	[dreg:$0x4] =	wrdreg s17  }
0xb7: {  	[dreg:$0x5] =	wrdreg $0x9  }
0xb8: {  	_ =	task.clear_ibuf [dreg:s9], $0x6FFFF;
	_ =	strace $0x90000046  }
0xb9: {  	s29 =	simm.s32 $0x9;
	_ =	strace $0x80000048  }
0xba: {  	_ =	swait.ge [sflag:s29], $0x1  }
0xbb: {  	[sflag:s29] =	ssyncadd.s32 $0xFFFFFFFF  }
0xbc: {  	_ =	strace $0x90000048  }
0xbd: {  	_ =	sfence  }
0xbe: {  	s30 =	sld [smem:$0x0];
	_ =	sdelay $0x2  }
0xbf: {  	s31 =	sshll.u32 s1, $0xD;
	s1 =	sshrl.u32 s1, $0x2  }
0xc0: {  	s3 =	sand.u32 $0x4000, s31;
	s1 =	sadd.s32 s1, s30  }
0xc1: {  	s0 =	sor.u32 s3, s0;
	s1 =	sshll.u32 s1, $0x11  }
0xc2: {  	s0 =	sor.u32 s1, s0  }
0xc3: {  	s0 =	sadd.s32 $0x8F2B, s0  }
0xc4: {  	[sflag:s0] =	ssyncadd.remote.s32 $0x1  }
0xc5: {  	_ =	sfence.sel $0xFFFF  }
0xc6: {  	[dreg:$0x0] =	wrdreg $0xFFFFFFFF;
	(pc) =	sbr.abs _section_cstart, $3  }
0xc7: {  	[dreg:$0x1] =	wrdreg $0xFFFFFFFF  }
0xc8: {  	_ =	task.clear_ibuf [dreg:s9], $0x2FFFF;
	_ =	strace $0x9FFFFFFF  }
0xc9: {  	(tm) =	ssettm $0x7FFFFFFF  }
tec
execute0_lowered:
.L_overlay_start_1:
0x0: {  	(tag) =	ssettag $0x1  }
0x1: {  	s1 =	rddreg [dreg:$0x0];
	s2 =	srdreg.scid  }
0x2: {  	s4 =	rddreg [dreg:$0x1];
	s0 =	stileid.u32;
	s14 =	sand.u32 $0x1, s2  }
0x3: {  	s15 =	rddreg [dreg:$0x2];
	s5 =	sshll.u32 s0, $0xA;
	s6 =	sshll.u32 s14, $0x9  }
0x4: {  	s3 =	simm.s32 $0x0;
	s2 =	rddreg [dreg:$0x3];
	s16 =	sor.u32 s6, s5  }
0x5: {  	[smem:$0x7FF] =	sst s3;
	s5 =	sshrl.u32 s16, $0x3  }
0x6: {  	_ =	strace $0x80000047;
	s5 =	sadd.s32 s4, s5;
	s4 =	simm.s32 $0x2  }
0x7: {  	[tilespmem:s3], [sflag:$0x2] =	stream.linear.gather [hbm4b:s5+s3], $0x200, $0x38;
	[tilespmem:$0x10200] =	vst v63  }
0x8: {  	_ =	swait.ge [sflag:s4], $0x200  }
0x9: {  	[sflag:s4] =	ssyncset.done $0x0  }
0xa: {  	s7 =	simm.s32 $0x200;
	s6 =	simm.s32 $0x80;
	[sflag:s4] =	ssyncadd.s32 $0xFFFFFE00  }
0xb: {  	[tilespmem:s7], [sflag:$0x1] =	stream.indirect.gather [hbm4b:s1+s6], $0x80, s3, s6, $0xb8;
	[tilespmem:$0x10200] =	vst v63  }
0xc: {  	s8 =	simm.s32 $0x4200  }
0xd: {  	[tilespmem:s8], [sflag:$0x1] =	stream.indirect.gather [hbm4b:s1+s6], $0x80, s6, s6, $0xb8;
	[tilespmem:$0x10200] =	vst v63  }
0xe: {  	s9 =	simm.s32 $0x100;
	s10 =	simm.s32 $0x8200  }
0xf: {  	[tilespmem:s10], [sflag:$0x1] =	stream.indirect.gather [hbm4b:s1+s6], $0x80, s9, s6, $0xb8;
	[tilespmem:$0x10200] =	vst v63  }
0x10: {  	s11 =	simm.s32 $0x180;
	s12 =	simm.s32 $0xC200;
	s13 =	simm.s32 $0x1  }
0x11: {  	[tilespmem:s12], [sflag:$0x1] =	stream.indirect.gather [hbm4b:s1+s6], $0x80, s11, s6, $0xb8;
	[tilespmem:$0x10200] =	vst v63  }
0x12: {  	_ =	swait.ge [sflag:s13], $0x4000  }
0x13: {  	[sflag:s13] =	ssyncset.done $0x0  }
0x14: {  	[sflag:s13] =	ssyncadd.s32 $0xFFFFC000  }
0x15: {  	_ =	swait.ge [sflag:s13], $0x4000  }
0x16: {  	[sflag:s13] =	ssyncset.done $0x0  }
0x17: {  	s14 =	ssub.s32 $0x2, s14;
	[sflag:s13] =	ssyncadd.s32 $0xFFFFC000  }
0x18: {  	s17 =	sshrl.u32 s14, $0x1;
	_ =	swait.ge [sflag:s13], $0x4000  }
0x19: {  	s17 =	ssub.s32 s14, s17;
	[sflag:s13] =	ssyncset.done $0x0  }
0x1a: {  	s31 =	smax.u32 s17, $0x1;
	[sflag:s13] =	ssyncadd.s32 $0xFFFFC000  }
0x1b: {  	p0 =	sne.s32 s31, $0x1;
	_ =	swait.ge [sflag:s13], $0x4000  }
.Ltmp0:
0x1c: {  	s30 =	sshll.u32 s16, $0x4;
	[sflag:s13] =	ssyncset.done $0x0;
	(pc) =	sbr.rel @!p0 .LBB2_2-.Ltmp0, $4  }
0x1d: {  	s14 =	sadd.s32 s15, s30;
	[sflag:s13] =	ssyncadd.s32 $0xFFFFC000  }
0x1e: {  	[hbm4b:s14+s3] =	stream.linear.scatter [tilespmem:s7], [sflag:$0x2], $0x10000, $0x38;
	[tilespmem:$0x10200] =	vst v63  }
0x1f: {  	_ =	swait.ge [sflag:s4], $0x10000  }
0x20: {  	s15 =	sadd.s32 $0xFFFFFFFF, s31;
	[sflag:s4] =	ssyncset.done $0x0  }
.LBB2_1:
0x21: {  	p0 =	sne.s32 s15, $0x1;
	s15 =	sadd.s32 $0xFFFFFFFF, s15;
	[sflag:s4] =	ssyncadd.s32 $0xFFFF0000  }
0x22: {  	[tilespmem:s3], [sflag:$0x2] =	stream.linear.gather [hbm4b:s5+s3], $0x200, $0x38;
	[tilespmem:$0x10200] =	vst v63  }
0x23: {  	_ =	swait.ge [sflag:s4], $0x200  }
0x24: {  	[sflag:s4] =	ssyncset.done $0x0  }
0x25: {  	[sflag:s4] =	ssyncadd.s32 $0xFFFFFE00  }
0x26: {  	[tilespmem:s7], [sflag:$0x1] =	stream.indirect.gather [hbm4b:s1+s6], $0x80, s3, s6, $0xb8;
	[tilespmem:$0x10200] =	vst v63  }
0x27: {  	_ = 	snop  }
0x28: {  	[tilespmem:s8], [sflag:$0x1] =	stream.indirect.gather [hbm4b:s1+s6], $0x80, s6, s6, $0xb8;
	[tilespmem:$0x10200] =	vst v63  }
0x29: {  	_ = 	snop  }
0x2a: {  	[tilespmem:s10], [sflag:$0x1] =	stream.indirect.gather [hbm4b:s1+s6], $0x80, s9, s6, $0xb8;
	[tilespmem:$0x10200] =	vst v63  }
0x2b: {  	_ = 	snop  }
0x2c: {  	[tilespmem:s12], [sflag:$0x1] =	stream.indirect.gather [hbm4b:s1+s6], $0x80, s11, s6, $0xb8;
	[tilespmem:$0x10200] =	vst v63  }
0x2d: {  	_ =	swait.ge [sflag:s13], $0x4000  }
0x2e: {  	[sflag:s13] =	ssyncset.done $0x0  }
0x2f: {  	[sflag:s13] =	ssyncadd.s32 $0xFFFFC000  }
0x30: {  	_ =	swait.ge [sflag:s13], $0x4000  }
0x31: {  	[sflag:s13] =	ssyncset.done $0x0  }
0x32: {  	[sflag:s13] =	ssyncadd.s32 $0xFFFFC000  }
0x33: {  	_ =	swait.ge [sflag:s13], $0x4000  }
0x34: {  	[sflag:s13] =	ssyncset.done $0x0  }
0x35: {  	[sflag:s13] =	ssyncadd.s32 $0xFFFFC000  }
0x36: {  	_ =	swait.ge [sflag:s13], $0x4000  }
.Ltmp1:
0x37: {  	[sflag:s13] =	ssyncset.done $0x0;
	(pc) =	sbr.rel @p0 .LBB2_1-.Ltmp1, $4  }
0x38: {  	[sflag:s13] =	ssyncadd.s32 $0xFFFFC000  }
0x39: {  	[hbm4b:s14+s3] =	stream.linear.scatter [tilespmem:s7], [sflag:$0x2], $0x10000, $0x38;
	[tilespmem:$0x10200] =	vst v63  }
0x3a: {  	_ =	swait.ge [sflag:s4], $0x10000  }
0x3b: {  	[sflag:s4] =	ssyncset.done $0x0  }
.LBB2_2:
0x3c: {  	[sflag:s4] =	ssyncadd.s32 $0xFFFF0000  }
0x3d: {  	_ =	sfence.sel $0x180000  }
0x3e: {  	[bflag:$0x0] =	sbarrier.arrive $0xFFFF  }
0x3f: {  	p0 =	sne.s32 s0, $0x0;
	_ =	strace $0x90000047  }
0x40: {  	s0 =	sadd.s32 @!p0 $0x100000, s2;
	[bflag:$0x2] =	sbarrier.arrive $0xFFFF  }
0x41: {  	[sflag:s0] =	ssyncadd.tile.s32 @!p0 $0x1;
	_ =	shalt  }
.Lfunc_end2:
_tile_overlayer_lowered:
.L_overlay_start_2:
0x42: {  	(tag) =	ssettag $0x2  }
0x43: {  	s0 =	rddreg [dreg:$0x0];
	s2 =	stileid.u32  }
0x44: {  	s1 =	rddreg [dreg:$0x1];
	p0 =	sne.s32 s2, $0x0  }
0x45: {  	s3 =	rddreg [dreg:$0x2];
	[bflag:$0x3] =	sbarrier.arrive $0xFFFF;
	s2 =	simm.s32 @!p0 $0x1C02  }
0x46: {  	[timem:s3], [sflag:s2] =	dma.local @!p0 [hbm:s0], s1  }
0x47: {  	s0 =	simm.s32 @!p0 $0x2  }
0x48: {  	_ =	swait.ge @!p0 [sflag:s0], s1  }
0x49: {  	s1 =	ssub.s32 @!p0 $0x0, s1;
	[sflag:s0] =	ssyncset.done @!p0 $0x0  }
0x4a: {  	[sflag:s0] =	ssyncadd.s32 @!p0 s1  }
0x4b: {  	[bflag:$0x3] =	sbarrier.arrive $0xFFFF  }
0x4c: {  	_ =	shalt  }

</sc_bundles>
